<compile_context>
chip_gen: v7x
topology: tpu7x:2x2x1
jax: 0.10.2.dev20260603
libtpu: 0.0.44.dev20260713+nightly
codegen_flags: <defaults>
</compile_context>

<pallas_src>
import functools

import jax
import jax.numpy as jnp
from jax import lax
from jax.experimental import pallas as pl
from jax.experimental.pallas import tpu as pltpu
from jax.experimental.pallas import tpu_sc as plsc

B = 16384
FIELD = 26
V = 100000
EMB = 4
HIST = 50
CH = 80000
SEQ_EMB = 64
D1 = 32
D2 = 32
FE = FIELD * EMB

NW = 32
BPW = B // NW
NB = 32
NCH = BPW // NB

BLK = 2048


def _prep_body(seq_ref, w1b_ref, t2_ref):
    t2_ref[...] = jnp.dot(
        seq_ref[...], w1b_ref[...], preferred_element_type=jnp.float32
    ) * (1.0 / HIST)


def _xif_body(xi_ref, xif_ref):
    f = lax.broadcasted_iota(jnp.int32, xi_ref.shape, 1)
    xif_ref[...] = xi_ref[...] + f * V



def _sc_body(t2, xseq, xif, sot, fot,
             seqp_o, sog_o, fog_o,
             xseq_v, rows_v, xif_v, idx4_v, sorow_v, forow_v,
             seqp_v, sog_v, fog_v):
    c = lax.axis_index("c")
    s = lax.axis_index("s")
    wid = c * 16 + s
    base0 = wid * BPW

    def chunk(i, carry):
        b0 = base0 + i * NB
        pltpu.sync_copy(xseq.at[pl.ds(b0 * HIST, NB * HIST)], xseq_v)
        pltpu.sync_copy(xif.at[pl.ds(b0 * FIELD, NB * FIELD)], xif_v)

        lane0 = lax.iota(jnp.int32, 16)

        def expand(j, carry2):
            g = j * 16
            ln = lane0 + g
            src = ln >> 2
            val = plsc.load_gather(xif_v, [src])
            idx4_v[pl.ds(g, 16)] = val * EMB + (ln & 3)
            return carry2

        lax.fori_loop(0, NB * FE // 16, expand, 0)

        pltpu.sync_copy(t2.at[xseq_v], rows_v)
        pltpu.sync_copy(sot.at[idx4_v], sorow_v)
        pltpu.sync_copy(fot.at[xif_v], forow_v)

        def bb(b, carry2):
            base = b * HIST
            acc0 = jnp.zeros((16,), jnp.float32)
            acc1 = jnp.zeros((16,), jnp.float32)
            for h in range(HIST):
                acc0 = acc0 + rows_v[base + h, 0:16]
                acc1 = acc1 + rows_v[base + h, 16:32]
            seqp_v[b, 0:16] = acc0
            seqp_v[b, 16:32] = acc1
            return carry2

        lax.fori_loop(0, NB, bb, 0)

        def rp_so(j, carry2):
            p = j * 16 + lane0
            b = p >> 7
            q = p & 127
            src = b * FE + jnp.minimum(q, FE - 1)
            val = plsc.load_gather(sorow_v, [src])
            sog_v[j >> 3, pl.ds((j & 7) * 16, 16)] = val
            return carry2

        lax.fori_loop(0, NB * 128 // 16, rp_so, 0)

        def rp_fo(j, carry2):
            p = j * 16 + lane0
            b = p >> 5
            src = b * FIELD + jnp.minimum(p & 31, FIELD - 1)
            val = plsc.load_gather(forow_v, [src])
            fog_v[j >> 1, pl.ds((j & 1) * 16, 16)] = val
            return carry2

        lax.fori_loop(0, NB * 32 // 16, rp_fo, 0)

        pltpu.sync_copy(seqp_v, seqp_o.at[pl.ds(b0, NB)])
        pltpu.sync_copy(sog_v, sog_o.at[pl.ds(b0, NB)])
        pltpu.sync_copy(fog_v, fog_o.at[pl.ds(b0, NB)])
        return carry

    lax.fori_loop(0, NCH, chunk, 0)


def _mlp_body(sog_ref, fog_ref, seqp_ref, xv_ref,
              w1a_ref, w2_ref, wc1_ref, wc2_ref, wc3_ref,
              b1_ref, b2_ref, s_ref, out_ref):
    rr = lax.broadcasted_iota(jnp.int32, (32, 128), 0)
    cc4 = lax.broadcasted_iota(jnp.int32, (32, 128), 1)
    rep = jnp.where(((cc4 >> 2) == rr) & (cc4 < FE), 1.0, 0.0).astype(jnp.float32)
    xv4 = jnp.dot(xv_ref[...], rep, preferred_element_type=jnp.float32)
    so = sog_ref[...] * xv4
    r = lax.broadcasted_iota(jnp.int32, (128, EMB), 0)
    cc = lax.broadcasted_iota(jnp.int32, (128, EMB), 1)
    sel = jnp.where(((r % EMB) == cc) & (r < FE), 1.0, 0.0).astype(jnp.float32)
    sum_emb = jnp.dot(so, sel, preferred_element_type=jnp.float32)
    sq_emb = jnp.dot(so * so, sel, preferred_element_type=jnp.float32)
    fm2 = 0.5 * (sum_emb * sum_emb - sq_emb)
    h1 = jnp.maximum(
        jnp.dot(so, w1a_ref[...], preferred_element_type=jnp.float32)
        + seqp_ref[...] + b1_ref[...], 0.0)
    h2 = jnp.maximum(
        jnp.dot(h1, w2_ref[...], preferred_element_type=jnp.float32)
        + b2_ref[...], 0.0)
    fm1 = fog_ref[...] * xv_ref[...]
    out = (jnp.dot(fm1, wc1_ref[...], preferred_element_type=jnp.float32)
           + jnp.dot(fm2, wc2_ref[...], preferred_element_type=jnp.float32)
           + jnp.dot(h2, wc3_ref[...], preferred_element_type=jnp.float32)
           + s_ref[0, 0])
    out_ref[...] = jax.nn.sigmoid(out)


def _make_sc_kernel():
    mesh = plsc.VectorSubcoreMesh(core_axis_name="c", subcore_axis_name="s",
                                  num_cores=2, num_subcores=16)
    return functools.partial(
        pl.kernel,
        out_type=(
            jax.ShapeDtypeStruct((B, D1), jnp.float32),
            jax.ShapeDtypeStruct((B, 128), jnp.float32),
            jax.ShapeDtypeStruct((B, 32), jnp.float32),
        ),
        mesh=mesh,
        scratch_types=[
            pltpu.VMEM((NB * HIST,), jnp.int32),
            pltpu.VMEM((NB * HIST, D1), jnp.float32),
            pltpu.VMEM((NB * FIELD,), jnp.int32),
            pltpu.VMEM((NB * FE,), jnp.int32),
            pltpu.VMEM((NB * FE,), jnp.float32),
            pltpu.VMEM((NB * FIELD,), jnp.float32),
            pltpu.VMEM((NB, D1), jnp.float32),
            pltpu.VMEM((NB, 128), jnp.float32),
            pltpu.VMEM((NB, 32), jnp.float32),
        ],
        compiler_params=pltpu.CompilerParams(
            use_tc_tiling_on_sc=False, needs_layout_passes=False),
    )(_sc_body)


def kernel(Xi, Xp, Xv, X_seq, fo_tables, so_tables, seq_table,
           W1, b1, W2, b2, Wc, bc, bias):
    idx = Xi[:, :, 0]
    so_flat = so_tables.reshape(FIELD * V * EMB)
    fo_flat = fo_tables.reshape(FIELD * V)
    W1a = W1[:FE]
    W1b = W1[FE:]

    RB = 4000
    t2 = pl.pallas_call(
        _prep_body,
        grid=(CH // RB,),
        in_specs=[
            pl.BlockSpec((RB, SEQ_EMB), lambda i: (i, 0)),
            pl.BlockSpec((SEQ_EMB, D1), lambda i: (0, 0)),
        ],
        out_specs=pl.BlockSpec((RB, D1), lambda i: (i, 0)),
        out_shape=jax.ShapeDtypeStruct((CH, D1), jnp.float32),
    )(seq_table, W1b)
    XB = 4096
    xif = pl.pallas_call(
        _xif_body,
        grid=(B // XB,),
        in_specs=[pl.BlockSpec((XB, FIELD), lambda i: (i, 0))],
        out_specs=pl.BlockSpec((XB, FIELD), lambda i: (i, 0)),
        out_shape=jax.ShapeDtypeStruct((B, FIELD), jnp.int32),
    )(idx)
    seqp, sog, fog = _make_sc_kernel()(
        t2, X_seq.reshape(B * HIST), xif.reshape(B * FIELD), so_flat, fo_flat)

    xv32 = jnp.pad(Xv, ((0, 0), (0, 32 - FIELD)))
    w1a_pad = jnp.pad(W1a, ((0, 128 - FE), (0, 0)))
    wc1_pad = jnp.pad(Wc[:FIELD], ((0, 32 - FIELD), (0, 0)))
    sc = (bc + bias).reshape(1, 1)
    grid = B // BLK
    out = pl.pallas_call(
        _mlp_body,
        grid=(grid,),
        in_specs=[
            pl.BlockSpec((BLK, 128), lambda i: (i, 0)),
            pl.BlockSpec((BLK, 32), lambda i: (i, 0)),
            pl.BlockSpec((BLK, D1), lambda i: (i, 0)),
            pl.BlockSpec((BLK, 32), lambda i: (i, 0)),
            pl.BlockSpec((128, D1), lambda i: (0, 0)),
            pl.BlockSpec((D1, D2), lambda i: (0, 0)),
            pl.BlockSpec((32, 1), lambda i: (0, 0)),
            pl.BlockSpec((EMB, 1), lambda i: (0, 0)),
            pl.BlockSpec((D2, 1), lambda i: (0, 0)),
            pl.BlockSpec((1, D1), lambda i: (0, 0)),
            pl.BlockSpec((1, D2), lambda i: (0, 0)),
            pl.BlockSpec((1, 1), lambda i: (0, 0)),
        ],
        out_specs=pl.BlockSpec((BLK, 1), lambda i: (i, 0)),
        out_shape=jax.ShapeDtypeStruct((B, 1), jnp.float32),
    )(sog, fog, seqp, xv32,
      w1a_pad, W2, wc1_pad, Wc[FIELD:FIELD + EMB], Wc[FIELD + EMB:],
      b1.reshape(1, D1), b2.reshape(1, D2), sc)
    return out[:, 0]

# --- scband reference (transcript-rebuilt; emitter-appended) ---
"""Pipeline reference for scband-deep-fm-33002528703358 (READ-ONLY COPY).

The authoritative reference and input builder live on the scoring server;
editing this copy changes nothing except your own understanding.
"""

import jax, jax.numpy as jnp
import numpy as np

B = 16384
FIELD = 26
V = 100000
EMB = 4
HIST = 50
CH = 80000
SEQ_EMB = 64
D1 = 32
D2 = 32
DEEP_IN = FIELD * EMB + SEQ_EMB  # 168
CONCAT = FIELD + EMB + D2        # 62


def setup_inputs(seed: int = 0) -> dict:
    key = jax.random.key(seed)
    ks = jax.random.split(key, 16)
    Xi = jax.random.randint(ks[0], (B, FIELD, 1), 0, V, dtype=jnp.int32)
    Xp = jax.random.normal(ks[1], (B, FIELD), dtype=jnp.float32)
    Xv = jnp.ones((B, FIELD), dtype=jnp.float32)
    X_seq = jax.random.randint(ks[2], (B, HIST), 0, CH, dtype=jnp.int32)
    # parameters (dropouts are identity in eval mode)
    fo_tables = jax.random.normal(ks[3], (FIELD, V, 1), dtype=jnp.float32) * 0.01
    so_tables = jax.random.normal(ks[4], (FIELD, V, EMB), dtype=jnp.float32) * 0.01
    seq_table = jax.random.normal(ks[5], (CH, SEQ_EMB), dtype=jnp.float32) * 0.01
    W1 = jax.random.normal(ks[6], (DEEP_IN, D1), dtype=jnp.float32) * (1.0 / np.sqrt(DEEP_IN))
    b1 = jnp.zeros((D1,), dtype=jnp.float32)
    W2 = jax.random.normal(ks[7], (D1, D2), dtype=jnp.float32) * (1.0 / np.sqrt(D1))
    b2 = jnp.zeros((D2,), dtype=jnp.float32)
    Wc = jax.random.normal(ks[8], (CONCAT, 1), dtype=jnp.float32) * (1.0 / np.sqrt(CONCAT))
    bc = jnp.zeros((1,), dtype=jnp.float32)
    bias = jax.random.normal(ks[9], (1,), dtype=jnp.float32)
    return {"Xi": Xi, "Xp": Xp, "Xv": Xv, "X_seq": X_seq,
            "fo_tables": fo_tables, "so_tables": so_tables, "seq_table": seq_table,
            "W1": W1, "b1": b1, "W2": W2, "b2": b2, "Wc": Wc, "bc": bc, "bias": bias}


def reference(Xi, Xp, Xv, X_seq, fo_tables, so_tables, seq_table, W1, b1, W2, b2, Wc, bc, bias):
    idx = Xi[:, :, 0]                                   # [B, FIELD]
    f = jnp.arange(FIELD)[None, :]                      # [1, FIELD]
    # FM first order: per-field 1-dim embedding lookup, scaled by Xv
    fm_first = fo_tables[f, idx][..., 0] * Xv           # [B, FIELD]
    # FM second order embeddings, scaled by Xv
    so = so_tables[f, idx] * Xv[:, :, None]             # [B, FIELD, EMB]
    sum_emb = jnp.sum(so, axis=1)                       # [B, EMB]
    fm_second = 0.5 * (sum_emb * sum_emb - jnp.sum(so * so, axis=1))
    # seq part: AVGModel = embedding lookup + mean pool over sequence
    seq_out = jnp.take(seq_table, X_seq, axis=0).mean(axis=1)  # [B, SEQ_EMB]
    # deep part
    deep_in = jnp.concatenate([so.reshape(so.shape[0], FIELD * EMB), seq_out], axis=1)
    h = jax.nn.relu(deep_in @ W1 + b1)
    h = jax.nn.relu(h @ W2 + b2)
    # concat projection + global bias
    concat = jnp.concatenate([fm_first, fm_second, h], axis=1)  # [B, CONCAT]
    out = concat @ Wc + bc + bias
    return jax.nn.sigmoid(out[:, 0])

if __name__ == "__main__":
    import jax
    _d = setup_inputs()
    print(jax.jit(kernel)(*tuple(_d.values())))

</pallas_src>

<mosaic_0001>
#map = affine_map<(d0, d1) -> (0, 0)>
#map1 = affine_map<(d0, d1) -> (0)>
module attributes {stable_mosaic.version = 14 : i64} {
  func.func @_sc_body(%arg0: i32, %arg1: i32, %arg2: memref<80000x32xf32, #tpu.memory_space<hbm>>, %arg3: memref<819200xi32, #tpu.memory_space<hbm>>, %arg4: memref<425984xi32, #tpu.memory_space<hbm>>, %arg5: memref<10400000xf32, #tpu.memory_space<hbm>>, %arg6: memref<2600000xf32, #tpu.memory_space<hbm>>, %arg7: memref<16384x32xf32, #tpu.memory_space<hbm>>, %arg8: memref<16384x128xf32, #tpu.memory_space<hbm>>, %arg9: memref<16384x32xf32, #tpu.memory_space<hbm>>, %arg10: memref<1600xi32, #tpu.memory_space<vmem>>, %arg11: memref<1600x32xf32, #tpu.memory_space<vmem>>, %arg12: memref<832xi32, #tpu.memory_space<vmem>>, %arg13: memref<3328xi32, #tpu.memory_space<vmem>>, %arg14: memref<3328xf32, #tpu.memory_space<vmem>>, %arg15: memref<832xf32, #tpu.memory_space<vmem>>, %arg16: memref<32x32xf32, #tpu.memory_space<vmem>>, %arg17: memref<32x128xf32, #tpu.memory_space<vmem>>, %arg18: memref<32x32xf32, #tpu.memory_space<vmem>>) attributes {dimension_semantics = [#tpu.dimension_semantics<core_parallel>, #tpu.dimension_semantics<subcore_parallel>], iteration_bounds = array<i64: 2, 16>, scalar_prefetch = 0 : i64, scratch_operands = 9 : i64, tpu.core_type = #tpu.core_type<sc_vector_subcore>, window_params = [{transform_indices = #map}, {transform_indices = #map1}, {transform_indices = #map1}, {transform_indices = #map1}, {transform_indices = #map1}, {transform_indices = #map}, {transform_indices = #map}, {transform_indices = #map}]} {
    %mul3A = arith.constant 16 : i32
    %mul3A_0 = arith.muli %arg0, %mul3A : i32
    %add3A = arith.addi %mul3A_0, %arg1 : i32
    %mul3A_1 = arith.constant 512 : i32
    %mul3A_2 = arith.muli %add3A, %mul3A_1 : i32
    %scan3A = arith.constant 0 : i32
    %scan3A_3 = arith.constant 0 : i32
    %scan3A_4 = arith.constant 16 : i32
    %scan3A_5 = arith.addi %scan3A_3, %scan3A_4 : i32
    %scan3A_6 = arith.constant 1 : i32
    scf.for %scan3A_8 = %scan3A_3 to %scan3A_5 step %scan3A_6  : i32 {
      %mul3A_9 = arith.constant 32 : i32
      %mul3A_10 = arith.muli %scan3A_8, %mul3A_9 : i32
      %add3A_11 = arith.addi %mul3A_2, %mul3A_10 : i32
      %mul3A_12 = arith.constant 50 : i32
      %mul3A_13 = arith.muli %add3A_11, %mul3A_12 : i32
      "tpu.region"() ({
        %run_scoped3A = tpu.sem_alloc : memref<!tpu.dma_semaphore, #tpu.memory_space<semaphore_mem>>
        %dma_start3A = tpu.memref_slice %arg3[%mul3A_13] : memref<819200xi32, #tpu.memory_space<hbm>> -> memref<1600xi32, #tpu.memory_space<hbm>>
        %dma_start3A_40 = tpu.memref_slice %arg3[%mul3A_13] : memref<819200xi32, #tpu.memory_space<hbm>> -> memref<1600xi32, #tpu.memory_space<hbm>>
        tpu.enqueue_dma source(%dma_start3A_40 : memref<1600xi32, #tpu.memory_space<hbm>>) target(%arg10 : memref<1600xi32, #tpu.memory_space<vmem>>) target_semaphore(%run_scoped3A : memref<!tpu.dma_semaphore, #tpu.memory_space<semaphore_mem>>)
        %dma_wait3A = tpu.memref_slice %arg3[%mul3A_13] : memref<819200xi32, #tpu.memory_space<hbm>> -> memref<1600xi32, #tpu.memory_space<hbm>>
        %dma_wait3A_41 = tpu.memref_slice %arg3[%mul3A_13] : memref<819200xi32, #tpu.memory_space<hbm>> -> memref<1600xi32, #tpu.memory_space<hbm>>
        tpu.wait_dma2 semaphore(%run_scoped3A : memref<!tpu.dma_semaphore, #tpu.memory_space<semaphore_mem>>) src(%dma_wait3A_41 : memref<1600xi32, #tpu.memory_space<hbm>>) dst(%arg10 : memref<1600xi32, #tpu.memory_space<vmem>>)
        tpu.yield
      }) : () -> ()
      %mul3A_14 = arith.constant 26 : i32
      %mul3A_15 = arith.muli %add3A_11, %mul3A_14 : i32
      "tpu.region"() ({
        %run_scoped3A = tpu.sem_alloc : memref<!tpu.dma_semaphore, #tpu.memory_space<semaphore_mem>>
        %dma_start3A = tpu.memref_slice %arg4[%mul3A_15] : memref<425984xi32, #tpu.memory_space<hbm>> -> memref<832xi32, #tpu.memory_space<hbm>>
        %dma_start3A_40 = tpu.memref_slice %arg4[%mul3A_15] : memref<425984xi32, #tpu.memory_space<hbm>> -> memref<832xi32, #tpu.memory_space<hbm>>
        tpu.enqueue_dma source(%dma_start3A_40 : memref<832xi32, #tpu.memory_space<hbm>>) target(%arg12 : memref<832xi32, #tpu.memory_space<vmem>>) target_semaphore(%run_scoped3A : memref<!tpu.dma_semaphore, #tpu.memory_space<semaphore_mem>>)
        %dma_wait3A = tpu.memref_slice %arg4[%mul3A_15] : memref<425984xi32, #tpu.memory_space<hbm>> -> memref<832xi32, #tpu.memory_space<hbm>>
        %dma_wait3A_41 = tpu.memref_slice %arg4[%mul3A_15] : memref<425984xi32, #tpu.memory_space<hbm>> -> memref<832xi32, #tpu.memory_space<hbm>>
        tpu.wait_dma2 semaphore(%run_scoped3A : memref<!tpu.dma_semaphore, #tpu.memory_space<semaphore_mem>>) src(%dma_wait3A_41 : memref<832xi32, #tpu.memory_space<hbm>>) dst(%arg12 : memref<832xi32, #tpu.memory_space<vmem>>)
        tpu.yield
      }) : () -> ()
      %iota3A = tpu.iota {dimensions = array<i32: 0>} : vector<16xi32>
      %scan3A_16 = arith.constant 0 : i32
      %scan3A_17 = arith.constant 0 : i32
      %scan3A_18 = arith.constant 208 : i32
      %scan3A_19 = arith.addi %scan3A_17, %scan3A_18 : i32
      %scan3A_20 = arith.constant 1 : i32
      scf.for %scan3A_40 = %scan3A_17 to %scan3A_19 step %scan3A_20  : i32 {
        %mul3A_41 = arith.constant 16 : i32
        %mul3A_42 = arith.muli %scan3A_40, %mul3A_41 : i32
        %add3A_43 = vector.broadcast %mul3A_42 : i32 to vector<16xi32>
        %add3A_44 = arith.addi %iota3A, %add3A_43 : vector<16xi32>
        %shift_right_arithmetic3A = arith.constant 2 : i32
        %shift_right_arithmetic3A_45 = vector.broadcast %shift_right_arithmetic3A : i32 to vector<16xi32>
        %shift_right_arithmetic3A_46 = arith.shrsi %add3A_44, %shift_right_arithmetic3A_45 : vector<16xi32>
        %gather3A = tpu.vector_load_idx %arg12[%shift_right_arithmetic3A_46] : memref<832xi32, #tpu.memory_space<vmem>>[vector<16xi32>], vector<16xi32>,
        %mul3A_47 = arith.constant 4 : i32
        %mul3A_48 = vector.broadcast %mul3A_47 : i32 to vector<16xi32>
        %mul3A_49 = arith.muli %gather3A, %mul3A_48 : vector<16xi32>
        %and3A = arith.constant 3 : i32
        %and3A_50 = vector.broadcast %and3A : i32 to vector<16xi32>
        %and3A_51 = arith.andi %add3A_44, %and3A_50 : vector<16xi32>
        %add3A_52 = arith.addi %mul3A_49, %and3A_51 : vector<16xi32>
        %swap3A = arith.index_cast %mul3A_42 : i32 to index
        %swap3A_53 = tpu.vector_load %arg13[%swap3A] {strides = array<i32>} : memref<3328xi32, #tpu.memory_space<vmem>>, vector<16xi32>,
        tpu.vector_store %arg13[%swap3A], %add3A_52 {strides = array<i32>} : memref<3328xi32, #tpu.memory_space<vmem>>, vector<16xi32>,
      }
      %scan3A_21 = arith.constant 208 : i32
      "tpu.region"() ({
        %run_scoped3A = tpu.sem_alloc : memref<!tpu.dma_semaphore, #tpu.memory_space<semaphore_mem>>
        %dma_start3A = arith.constant 0 : i32
        %dma_start3A_40 = arith.constant 0 : i32
        %dma_start3A_41 = tpu.memref_slice %arg2[%dma_start3A, %dma_start3A_40] : memref<80000x32xf32, #tpu.memory_space<hbm>> -> memref<80000x32xf32, #tpu.memory_space<hbm>>
        tpu.enqueue_indirect_dma source(%dma_start3A_41 : memref<80000x32xf32, #tpu.memory_space<hbm>>) target(%arg11 : memref<1600x32xf32, #tpu.memory_space<vmem>>) offsets(%arg10 : memref<1600xi32, #tpu.memory_space<vmem>>) semaphore(%run_scoped3A : memref<!tpu.dma_semaphore, #tpu.memory_space<semaphore_mem>>)
        %dma_wait3A = arith.constant 0 : i32
        %dma_wait3A_42 = arith.constant 0 : i32
        %dma_wait3A_43 = tpu.memref_slice %arg2[%dma_wait3A, %dma_wait3A_42] : memref<80000x32xf32, #tpu.memory_space<hbm>> -> memref<80000x32xf32, #tpu.memory_space<hbm>>
        tpu.wait_indirect_dma semaphore(%run_scoped3A : memref<!tpu.dma_semaphore, #tpu.memory_space<semaphore_mem>>) src(%dma_wait3A_43 : memref<80000x32xf32, #tpu.memory_space<hbm>>) dst(%arg11 : memref<1600x32xf32, #tpu.memory_space<vmem>>)
        tpu.yield
      }) : () -> ()
      "tpu.region"() ({
        %run_scoped3A = tpu.sem_alloc : memref<!tpu.dma_semaphore, #tpu.memory_space<semaphore_mem>>
        %dma_start3A = arith.constant 0 : i32
        %dma_start3A_40 = tpu.memref_slice %arg5[%dma_start3A] : memref<10400000xf32, #tpu.memory_space<hbm>> -> memref<10400000xf32, #tpu.memory_space<hbm>>
        tpu.enqueue_indirect_dma source(%dma_start3A_40 : memref<10400000xf32, #tpu.memory_space<hbm>>) target(%arg14 : memref<3328xf32, #tpu.memory_space<vmem>>) offsets(%arg13 : memref<3328xi32, #tpu.memory_space<vmem>>) semaphore(%run_scoped3A : memref<!tpu.dma_semaphore, #tpu.memory_space<semaphore_mem>>)
        %dma_wait3A = arith.constant 0 : i32
        %dma_wait3A_41 = tpu.memref_slice %arg5[%dma_wait3A] : memref<10400000xf32, #tpu.memory_space<hbm>> -> memref<10400000xf32, #tpu.memory_space<hbm>>
        tpu.wait_indirect_dma semaphore(%run_scoped3A : memref<!tpu.dma_semaphore, #tpu.memory_space<semaphore_mem>>) src(%dma_wait3A_41 : memref<10400000xf32, #tpu.memory_space<hbm>>) dst(%arg14 : memref<3328xf32, #tpu.memory_space<vmem>>)
        tpu.yield
      }) : () -> ()
      "tpu.region"() ({
        %run_scoped3A = tpu.sem_alloc : memref<!tpu.dma_semaphore, #tpu.memory_space<semaphore_mem>>
        %dma_start3A = arith.constant 0 : i32
        %dma_start3A_40 = tpu.memref_slice %arg6[%dma_start3A] : memref<2600000xf32, #tpu.memory_space<hbm>> -> memref<2600000xf32, #tpu.memory_space<hbm>>
        tpu.enqueue_indirect_dma source(%dma_start3A_40 : memref<2600000xf32, #tpu.memory_space<hbm>>) target(%arg15 : memref<832xf32, #tpu.memory_space<vmem>>) offsets(%arg12 : memref<832xi32, #tpu.memory_space<vmem>>) semaphore(%run_scoped3A : memref<!tpu.dma_semaphore, #tpu.memory_space<semaphore_mem>>)
        %dma_wait3A = arith.constant 0 : i32
        %dma_wait3A_41 = tpu.memref_slice %arg6[%dma_wait3A] : memref<2600000xf32, #tpu.memory_space<hbm>> -> memref<2600000xf32, #tpu.memory_space<hbm>>
        tpu.wait_indirect_dma semaphore(%run_scoped3A : memref<!tpu.dma_semaphore, #tpu.memory_space<semaphore_mem>>) src(%dma_wait3A_41 : memref<2600000xf32, #tpu.memory_space<hbm>>) dst(%arg15 : memref<832xf32, #tpu.memory_space<vmem>>)
        tpu.yield
      }) : () -> ()
      %scan3A_22 = arith.constant 0 : i32
      %scan3A_23 = arith.constant 0 : i32
      %scan3A_24 = arith.constant 32 : i32
      %scan3A_25 = arith.addi %scan3A_23, %scan3A_24 : i32
      %scan3A_26 = arith.constant 1 : i32
      scf.for %scan3A_40 = %scan3A_23 to %scan3A_25 step %scan3A_26  : i32 {
        %mul3A_41 = arith.constant 50 : i32
        %mul3A_42 = arith.muli %scan3A_40, %mul3A_41 : i32
        %broadcast_in_dim3A = arith.constant 0.000000e+00 : f32
        %broadcast_in_dim3A_43 = vector.broadcast %broadcast_in_dim3A : f32 to vector<16xf32>
        %broadcast_in_dim3A_44 = arith.constant 0.000000e+00 : f32
        %broadcast_in_dim3A_45 = vector.broadcast %broadcast_in_dim3A_44 : f32 to vector<16xf32>
        %add3A_46 = arith.constant 0 : i32
        %add3A_47 = arith.addi %mul3A_42, %add3A_46 : i32
        %get3A = arith.index_cast %add3A_47 : i32 to index
        %get3A_48 = arith.constant 0 : index
        %get3A_49 = tpu.vector_load %arg11[%get3A, %get3A_48] {strides = array<i32>} : memref<1600x32xf32, #tpu.memory_space<vmem>>, vector<16xf32>,
        %add3A_50 = arith.addf %broadcast_in_dim3A_43, %get3A_49 : vector<16xf32>
        %add3A_51 = arith.constant 0 : i32
        %add3A_52 = arith.addi %mul3A_42, %add3A_51 : i32
        %get3A_53 = arith.index_cast %add3A_52 : i32 to index
        %get3A_54 = arith.constant 16 : index
        %get3A_55 = tpu.vector_load %arg11[%get3A_53, %get3A_54] {strides = array<i32>} : memref<1600x32xf32, #tpu.memory_space<vmem>>, vector<16xf32>,
        %add3A_56 = arith.addf %broadcast_in_dim3A_45, %get3A_55 : vector<16xf32>
        %add3A_57 = arith.constant 1 : i32
        %add3A_58 = arith.addi %mul3A_42, %add3A_57 : i32
        %get3A_59 = arith.index_cast %add3A_58 : i32 to index
        %get3A_60 = arith.constant 0 : index
        %get3A_61 = tpu.vector_load %arg11[%get3A_59, %get3A_60] {strides = array<i32>} : memref<1600x32xf32, #tpu.memory_space<vmem>>, vector<16xf32>,
        %add3A_62 = arith.addf %add3A_50, %get3A_61 : vector<16xf32>
        %add3A_63 = arith.constant 1 : i32
        %add3A_64 = arith.addi %mul3A_42, %add3A_63 : i32
        %get3A_65 = arith.index_cast %add3A_64 : i32 to index
        %get3A_66 = arith.constant 16 : index
        %get3A_67 = tpu.vector_load %arg11[%get3A_65, %get3A_66] {strides = array<i32>} : memref<1600x32xf32, #tpu.memory_space<vmem>>, vector<16xf32>,
        %add3A_68 = arith.addf %add3A_56, %get3A_67 : vector<16xf32>
        %add3A_69 = arith.constant 2 : i32
        %add3A_70 = arith.addi %mul3A_42, %add3A_69 : i32
        %get3A_71 = arith.index_cast %add3A_70 : i32 to index
        %get3A_72 = arith.constant 0 : index
        %get3A_73 = tpu.vector_load %arg11[%get3A_71, %get3A_72] {strides = array<i32>} : memref<1600x32xf32, #tpu.memory_space<vmem>>, vector<16xf32>,
        %add3A_74 = arith.addf %add3A_62, %get3A_73 : vector<16xf32>
        %add3A_75 = arith.constant 2 : i32
        %add3A_76 = arith.addi %mul3A_42, %add3A_75 : i32
        %get3A_77 = arith.index_cast %add3A_76 : i32 to index
        %get3A_78 = arith.constant 16 : index
        %get3A_79 = tpu.vector_load %arg11[%get3A_77, %get3A_78] {strides = array<i32>} : memref<1600x32xf32, #tpu.memory_space<vmem>>, vector<16xf32>,
        %add3A_80 = arith.addf %add3A_68, %get3A_79 : vector<16xf32>
        %add3A_81 = arith.constant 3 : i32
        %add3A_82 = arith.addi %mul3A_42, %add3A_81 : i32
        %get3A_83 = arith.index_cast %add3A_82 : i32 to index
        %get3A_84 = arith.constant 0 : index
        %get3A_85 = tpu.vector_load %arg11[%get3A_83, %get3A_84] {strides = array<i32>} : memref<1600x32xf32, #tpu.memory_space<vmem>>, vector<16xf32>,
        %add3A_86 = arith.addf %add3A_74, %get3A_85 : vector<16xf32>
        %add3A_87 = arith.constant 3 : i32
        %add3A_88 = arith.addi %mul3A_42, %add3A_87 : i32
        %get3A_89 = arith.index_cast %add3A_88 : i32 to index
        %get3A_90 = arith.constant 16 : index
        %get3A_91 = tpu.vector_load %arg11[%get3A_89, %get3A_90] {strides = array<i32>} : memref<1600x32xf32, #tpu.memory_space<vmem>>, vector<16xf32>,
        %add3A_92 = arith.addf %add3A_80, %get3A_91 : vector<16xf32>
        %add3A_93 = arith.constant 4 : i32
        %add3A_94 = arith.addi %mul3A_42, %add3A_93 : i32
        %get3A_95 = arith.index_cast %add3A_94 : i32 to index
        %get3A_96 = arith.constant 0 : index
        %get3A_97 = tpu.vector_load %arg11[%get3A_95, %get3A_96] {strides = array<i32>} : memref<1600x32xf32, #tpu.memory_space<vmem>>, vector<16xf32>,
        %add3A_98 = arith.addf %add3A_86, %get3A_97 : vector<16xf32>
        %add3A_99 = arith.constant 4 : i32
        %add3A_100 = arith.addi %mul3A_42, %add3A_99 : i32
        %get3A_101 = arith.index_cast %add3A_100 : i32 to index
        %get3A_102 = arith.constant 16 : index
        %get3A_103 = tpu.vector_load %arg11[%get3A_101, %get3A_102] {strides = array<i32>} : memref<1600x32xf32, #tpu.memory_space<vmem>>, vector<16xf32>,
        %add3A_104 = arith.addf %add3A_92, %get3A_103 : vector<16xf32>
        %add3A_105 = arith.constant 5 : i32
        %add3A_106 = arith.addi %mul3A_42, %add3A_105 : i32
        %get3A_107 = arith.index_cast %add3A_106 : i32 to index
        %get3A_108 = arith.constant 0 : index
        %get3A_109 = tpu.vector_load %arg11[%get3A_107, %get3A_108] {strides = array<i32>} : memref<1600x32xf32, #tpu.memory_space<vmem>>, vector<16xf32>,
        %add3A_110 = arith.addf %add3A_98, %get3A_109 : vector<16xf32>
        %add3A_111 = arith.constant 5 : i32
        %add3A_112 = arith.addi %mul3A_42, %add3A_111 : i32
        %get3A_113 = arith.index_cast %add3A_112 : i32 to index
        %get3A_114 = arith.constant 16 : index
        %get3A_115 = tpu.vector_load %arg11[%get3A_113, %get3A_114] {strides = array<i32>} : memref<1600x32xf32, #tpu.memory_space<vmem>>, vector<16xf32>,
        %add3A_116 = arith.addf %add3A_104, %get3A_115 : vector<16xf32>
        %add3A_117 = arith.constant 6 : i32
        %add3A_118 = arith.addi %mul3A_42, %add3A_117 : i32
        %get3A_119 = arith.index_cast %add3A_118 : i32 to index
        %get3A_120 = arith.constant 0 : index
        %get3A_121 = tpu.vector_load %arg11[%get3A_119, %get3A_120] {strides = array<i32>} : memref<1600x32xf32, #tpu.memory_space<vmem>>, vector<16xf32>,
        %add3A_122 = arith.addf %add3A_110, %get3A_121 : vector<16xf32>
        %add3A_123 = arith.constant 6 : i32
        %add3A_124 = arith.addi %mul3A_42, %add3A_123 : i32
        %get3A_125 = arith.index_cast %add3A_124 : i32 to index
        %get3A_126 = arith.constant 16 : index
        %get3A_127 = tpu.vector_load %arg11[%get3A_125, %get3A_126] {strides = array<i32>} : memref<1600x32xf32, #tpu.memory_space<vmem>>, vector<16xf32>,
        %add3A_128 = arith.addf %add3A_116, %get3A_127 : vector<16xf32>
        %add3A_129 = arith.constant 7 : i32
        %add3A_130 = arith.addi %mul3A_42, %add3A_129 : i32
        %get3A_131 = arith.index_cast %add3A_130 : i32 to index
        %get3A_132 = arith.constant 0 : index
        %get3A_133 = tpu.vector_load %arg11[%get3A_131, %get3A_132] {strides = array<i32>} : memref<1600x32xf32, #tpu.memory_space<vmem>>, vector<16xf32>,
        %add3A_134 = arith.addf %add3A_122, %get3A_133 : vector<16xf32>
        %add3A_135 = arith.constant 7 : i32
        %add3A_136 = arith.addi %mul3A_42, %add3A_135 : i32
        %get3A_137 = arith.index_cast %add3A_136 : i32 to index
        %get3A_138 = arith.constant 16 : index
        %get3A_139 = tpu.vector_load %arg11[%get3A_137, %get3A_138] {strides = array<i32>} : memref<1600x32xf32, #tpu.memory_space<vmem>>, vector<16xf32>,
        %add3A_140 = arith.addf %add3A_128, %get3A_139 : vector<16xf32>
        %add3A_141 = arith.constant 8 : i32
        %add3A_142 = arith.addi %mul3A_42, %add3A_141 : i32
        %get3A_143 = arith.index_cast %add3A_142 : i32 to index
        %get3A_144 = arith.constant 0 : index
        %get3A_145 = tpu.vector_load %arg11[%get3A_143, %get3A_144] {strides = array<i32>} : memref<1600x32xf32, #tpu.memory_space<vmem>>, vector<16xf32>,
        %add3A_146 = arith.addf %add3A_134, %get3A_145 : vector<16xf32>
        %add3A_147 = arith.constant 8 : i32
        %add3A_148 = arith.addi %mul3A_42, %add3A_147 : i32
        %get3A_149 = arith.index_cast %add3A_148 : i32 to index
        %get3A_150 = arith.constant 16 : index
        %get3A_151 = tpu.vector_load %arg11[%get3A_149, %get3A_150] {strides = array<i32>} : memref<1600x32xf32, #tpu.memory_space<vmem>>, vector<16xf32>,
        %add3A_152 = arith.addf %add3A_140, %get3A_151 : vector<16xf32>
        %add3A_153 = arith.constant 9 : i32
        %add3A_154 = arith.addi %mul3A_42, %add3A_153 : i32
        %get3A_155 = arith.index_cast %add3A_154 : i32 to index
        %get3A_156 = arith.constant 0 : index
        %get3A_157 = tpu.vector_load %arg11[%get3A_155, %get3A_156] {strides = array<i32>} : memref<1600x32xf32, #tpu.memory_space<vmem>>, vector<16xf32>,
        %add3A_158 = arith.addf %add3A_146, %get3A_157 : vector<16xf32>
        %add3A_159 = arith.constant 9 : i32
        %add3A_160 = arith.addi %mul3A_42, %add3A_159 : i32
        %get3A_161 = arith.index_cast %add3A_160 : i32 to index
        %get3A_162 = arith.constant 16 : index
        %get3A_163 = tpu.vector_load %arg11[%get3A_161, %get3A_162] {strides = array<i32>} : memref<1600x32xf32, #tpu.memory_space<vmem>>, vector<16xf32>,
        %add3A_164 = arith.addf %add3A_152, %get3A_163 : vector<16xf32>
        %add3A_165 = arith.constant 10 : i32
        %add3A_166 = arith.addi %mul3A_42, %add3A_165 : i32
        %get3A_167 = arith.index_cast %add3A_166 : i32 to index
        %get3A_168 = arith.constant 0 : index
        %get3A_169 = tpu.vector_load %arg11[%get3A_167, %get3A_168] {strides = array<i32>} : memref<1600x32xf32, #tpu.memory_space<vmem>>, vector<16xf32>,
        %add3A_170 = arith.addf %add3A_158, %get3A_169 : vector<16xf32>
        %add3A_171 = arith.constant 10 : i32
        %add3A_172 = arith.addi %mul3A_42, %add3A_171 : i32
        %get3A_173 = arith.index_cast %add3A_172 : i32 to index
        %get3A_174 = arith.constant 16 : index
        %get3A_175 = tpu.vector_load %arg11[%get3A_173, %get3A_174] {strides = array<i32>} : memref<1600x32xf32, #tpu.memory_space<vmem>>, vector<16xf32>,
        %add3A_176 = arith.addf %add3A_164, %get3A_175 : vector<16xf32>
        %add3A_177 = arith.constant 11 : i32
        %add3A_178 = arith.addi %mul3A_42, %add3A_177 : i32
        %get3A_179 = arith.index_cast %add3A_178 : i32 to index
        %get3A_180 = arith.constant 0 : index
        %get3A_181 = tpu.vector_load %arg11[%get3A_179, %get3A_180] {strides = array<i32>} : memref<1600x32xf32, #tpu.memory_space<vmem>>, vector<16xf32>,
        %add3A_182 = arith.addf %add3A_170, %get3A_181 : vector<16xf32>
        %add3A_183 = arith.constant 11 : i32
        %add3A_184 = arith.addi %mul3A_42, %add3A_183 : i32
        %get3A_185 = arith.index_cast %add3A_184 : i32 to index
        %get3A_186 = arith.constant 16 : index
        %get3A_187 = tpu.vector_load %arg11[%get3A_185, %get3A_186] {strides = array<i32>} : memref<1600x32xf32, #tpu.memory_space<vmem>>, vector<16xf32>,
        %add3A_188 = arith.addf %add3A_176, %get3A_187 : vector<16xf32>
        %add3A_189 = arith.constant 12 : i32
        %add3A_190 = arith.addi %mul3A_42, %add3A_189 : i32
        %get3A_191 = arith.index_cast %add3A_190 : i32 to index
        %get3A_192 = arith.constant 0 : index
        %get3A_193 = tpu.vector_load %arg11[%get3A_191, %get3A_192] {strides = array<i32>} : memref<1600x32xf32, #tpu.memory_space<vmem>>, vector<16xf32>,
        %add3A_194 = arith.addf %add3A_182, %get3A_193 : vector<16xf32>
        %add3A_195 = arith.constant 12 : i32
        %add3A_196 = arith.addi %mul3A_42, %add3A_195 : i32
        %get3A_197 = arith.index_cast %add3A_196 : i32 to index
        %get3A_198 = arith.constant 16 : index
        %get3A_199 = tpu.vector_load %arg11[%get3A_197, %get3A_198] {strides = array<i32>} : memref<1600x32xf32, #tpu.memory_space<vmem>>, vector<16xf32>,
        %add3A_200 = arith.addf %add3A_188, %get3A_199 : vector<16xf32>
        %add3A_201 = arith.constant 13 : i32
        %add3A_202 = arith.addi %mul3A_42, %add3A_201 : i32
        %get3A_203 = arith.index_cast %add3A_202 : i32 to index
        %get3A_204 = arith.constant 0 : index
        %get3A_205 = tpu.vector_load %arg11[%get3A_203, %get3A_204] {strides = array<i32>} : memref<1600x32xf32, #tpu.memory_space<vmem>>, vector<16xf32>,
        %add3A_206 = arith.addf %add3A_194, %get3A_205 : vector<16xf32>
        %add3A_207 = arith.constant 13 : i32
        %add3A_208 = arith.addi %mul3A_42, %add3A_207 : i32
        %get3A_209 = arith.index_cast %add3A_208 : i32 to index
        %get3A_210 = arith.constant 16 : index
        %get3A_211 = tpu.vector_load %arg11[%get3A_209, %get3A_210] {strides = array<i32>} : memref<1600x32xf32, #tpu.memory_space<vmem>>, vector<16xf32>,
        %add3A_212 = arith.addf %add3A_200, %get3A_211 : vector<16xf32>
        %add3A_213 = arith.constant 14 : i32
        %add3A_214 = arith.addi %mul3A_42, %add3A_213 : i32
        %get3A_215 = arith.index_cast %add3A_214 : i32 to index
        %get3A_216 = arith.constant 0 : index
        %get3A_217 = tpu.vector_load %arg11[%get3A_215, %get3A_216] {strides = array<i32>} : memref<1600x32xf32, #tpu.memory_space<vmem>>, vector<16xf32>,
        %add3A_218 = arith.addf %add3A_206, %get3A_217 : vector<16xf32>
        %add3A_219 = arith.constant 14 : i32
        %add3A_220 = arith.addi %mul3A_42, %add3A_219 : i32
        %get3A_221 = arith.index_cast %add3A_220 : i32 to index
        %get3A_222 = arith.constant 16 : index
        %get3A_223 = tpu.vector_load %arg11[%get3A_221, %get3A_222] {strides = array<i32>} : memref<1600x32xf32, #tpu.memory_space<vmem>>, vector<16xf32>,
        %add3A_224 = arith.addf %add3A_212, %get3A_223 : vector<16xf32>
        %add3A_225 = arith.constant 15 : i32
        %add3A_226 = arith.addi %mul3A_42, %add3A_225 : i32
        %get3A_227 = arith.index_cast %add3A_226 : i32 to index
        %get3A_228 = arith.constant 0 : index
        %get3A_229 = tpu.vector_load %arg11[%get3A_227, %get3A_228] {strides = array<i32>} : memref<1600x32xf32, #tpu.memory_space<vmem>>, vector<16xf32>,
        %add3A_230 = arith.addf %add3A_218, %get3A_229 : vector<16xf32>
        %add3A_231 = arith.constant 15 : i32
        %add3A_232 = arith.addi %mul3A_42, %add3A_231 : i32
        %get3A_233 = arith.index_cast %add3A_232 : i32 to index
        %get3A_234 = arith.constant 16 : index
        %get3A_235 = tpu.vector_load %arg11[%get3A_233, %get3A_234] {strides = array<i32>} : memref<1600x32xf32, #tpu.memory_space<vmem>>, vector<16xf32>,
        %add3A_236 = arith.addf %add3A_224, %get3A_235 : vector<16xf32>
        %add3A_237 = arith.constant 16 : i32
        %add3A_238 = arith.addi %mul3A_42, %add3A_237 : i32
        %get3A_239 = arith.index_cast %add3A_238 : i32 to index
        %get3A_240 = arith.constant 0 : index
        %get3A_241 = tpu.vector_load %arg11[%get3A_239, %get3A_240] {strides = array<i32>} : memref<1600x32xf32, #tpu.memory_space<vmem>>, vector<16xf32>,
        %add3A_242 = arith.addf %add3A_230, %get3A_241 : vector<16xf32>
        %add3A_243 = arith.constant 16 : i32
        %add3A_244 = arith.addi %mul3A_42, %add3A_243 : i32
        %get3A_245 = arith.index_cast %add3A_244 : i32 to index
        %get3A_246 = arith.constant 16 : index
        %get3A_247 = tpu.vector_load %arg11[%get3A_245, %get3A_246] {strides = array<i32>} : memref<1600x32xf32, #tpu.memory_space<vmem>>, vector<16xf32>,
        %add3A_248 = arith.addf %add3A_236, %get3A_247 : vector<16xf32>
        %add3A_249 = arith.constant 17 : i32
        %add3A_250 = arith.addi %mul3A_42, %add3A_249 : i32
        %get3A_251 = arith.index_cast %add3A_250 : i32 to index
        %get3A_252 = arith.constant 0 : index
        %get3A_253 = tpu.vector_load %arg11[%get3A_251, %get3A_252] {strides = array<i32>} : memref<1600x32xf32, #tpu.memory_space<vmem>>, vector<16xf32>,
        %add3A_254 = arith.addf %add3A_242, %get3A_253 : vector<16xf32>
        %add3A_255 = arith.constant 17 : i32
        %add3A_256 = arith.addi %mul3A_42, %add3A_255 : i32
        %get3A_257 = arith.index_cast %add3A_256 : i32 to index
        %get3A_258 = arith.constant 16 : index
        %get3A_259 = tpu.vector_load %arg11[%get3A_257, %get3A_258] {strides = array<i32>} : memref<1600x32xf32, #tpu.memory_space<vmem>>, vector<16xf32>,
        %add3A_260 = arith.addf %add3A_248, %get3A_259 : vector<16xf32>
        %add3A_261 = arith.constant 18 : i32
        %add3A_262 = arith.addi %mul3A_42, %add3A_261 : i32
        %get3A_263 = arith.index_cast %add3A_262 : i32 to index
        %get3A_264 = arith.constant 0 : index
        %get3A_265 = tpu.vector_load %arg11[%get3A_263, %get3A_264] {strides = array<i32>} : memref<1600x32xf32, #tpu.memory_space<vmem>>, vector<16xf32>,
        %add3A_266 = arith.addf %add3A_254, %get3A_265 : vector<16xf32>
        %add3A_267 = arith.constant 18 : i32
        %add3A_268 = arith.addi %mul3A_42, %add3A_267 : i32
        %get3A_269 = arith.index_cast %add3A_268 : i32 to index
        %get3A_270 = arith.constant 16 : index
        %get3A_271 = tpu.vector_load %arg11[%get3A_269, %get3A_270] {strides = array<i32>} : memref<1600x32xf32, #tpu.memory_space<vmem>>, vector<16xf32>,
        %add3A_272 = arith.addf %add3A_260, %get3A_271 : vector<16xf32>
        %add3A_273 = arith.constant 19 : i32
        %add3A_274 = arith.addi %mul3A_42, %add3A_273 : i32
        %get3A_275 = arith.index_cast %add3A_274 : i32 to index
        %get3A_276 = arith.constant 0 : index
        %get3A_277 = tpu.vector_load %arg11[%get3A_275, %get3A_276] {strides = array<i32>} : memref<1600x32xf32, #tpu.memory_space<vmem>>, vector<16xf32>,
        %add3A_278 = arith.addf %add3A_266, %get3A_277 : vector<16xf32>
        %add3A_279 = arith.constant 19 : i32
        %add3A_280 = arith.addi %mul3A_42, %add3A_279 : i32
        %get3A_281 = arith.index_cast %add3A_280 : i32 to index
        %get3A_282 = arith.constant 16 : index
        %get3A_283 = tpu.vector_load %arg11[%get3A_281, %get3A_282] {strides = array<i32>} : memref<1600x32xf32, #tpu.memory_space<vmem>>, vector<16xf32>,
        %add3A_284 = arith.addf %add3A_272, %get3A_283 : vector<16xf32>
        %add3A_285 = arith.constant 20 : i32
        %add3A_286 = arith.addi %mul3A_42, %add3A_285 : i32
        %get3A_287 = arith.index_cast %add3A_286 : i32 to index
        %get3A_288 = arith.constant 0 : index
        %get3A_289 = tpu.vector_load %arg11[%get3A_287, %get3A_288] {strides = array<i32>} : memref<1600x32xf32, #tpu.memory_space<vmem>>, vector<16xf32>,
        %add3A_290 = arith.addf %add3A_278, %get3A_289 : vector<16xf32>
        %add3A_291 = arith.constant 20 : i32
        %add3A_292 = arith.addi %mul3A_42, %add3A_291 : i32
        %get3A_293 = arith.index_cast %add3A_292 : i32 to index
        %get3A_294 = arith.constant 16 : index
        %get3A_295 = tpu.vector_load %arg11[%get3A_293, %get3A_294] {strides = array<i32>} : memref<1600x32xf32, #tpu.memory_space<vmem>>, vector<16xf32>,
        %add3A_296 = arith.addf %add3A_284, %get3A_295 : vector<16xf32>
        %add3A_297 = arith.constant 21 : i32
        %add3A_298 = arith.addi %mul3A_42, %add3A_297 : i32
        %get3A_299 = arith.index_cast %add3A_298 : i32 to index
        %get3A_300 = arith.constant 0 : index
        %get3A_301 = tpu.vector_load %arg11[%get3A_299, %get3A_300] {strides = array<i32>} : memref<1600x32xf32, #tpu.memory_space<vmem>>, vector<16xf32>,
        %add3A_302 = arith.addf %add3A_290, %get3A_301 : vector<16xf32>
        %add3A_303 = arith.constant 21 : i32
        %add3A_304 = arith.addi %mul3A_42, %add3A_303 : i32
        %get3A_305 = arith.index_cast %add3A_304 : i32 to index
        %get3A_306 = arith.constant 16 : index
        %get3A_307 = tpu.vector_load %arg11[%get3A_305, %get3A_306] {strides = array<i32>} : memref<1600x32xf32, #tpu.memory_space<vmem>>, vector<16xf32>,
        %add3A_308 = arith.addf %add3A_296, %get3A_307 : vector<16xf32>
        %add3A_309 = arith.constant 22 : i32
        %add3A_310 = arith.addi %mul3A_42, %add3A_309 : i32
        %get3A_311 = arith.index_cast %add3A_310 : i32 to index
        %get3A_312 = arith.constant 0 : index
        %get3A_313 = tpu.vector_load %arg11[%get3A_311, %get3A_312] {strides = array<i32>} : memref<1600x32xf32, #tpu.memory_space<vmem>>, vector<16xf32>,
        %add3A_314 = arith.addf %add3A_302, %get3A_313 : vector<16xf32>
        %add3A_315 = arith.constant 22 : i32
        %add3A_316 = arith.addi %mul3A_42, %add3A_315 : i32
        %get3A_317 = arith.index_cast %add3A_316 : i32 to index
        %get3A_318 = arith.constant 16 : index
        %get3A_319 = tpu.vector_load %arg11[%get3A_317, %get3A_318] {strides = array<i32>} : memref<1600x32xf32, #tpu.memory_space<vmem>>, vector<16xf32>,
        %add3A_320 = arith.addf %add3A_308, %get3A_319 : vector<16xf32>
        %add3A_321 = arith.constant 23 : i32
        %add3A_322 = arith.addi %mul3A_42, %add3A_321 : i32
        %get3A_323 = arith.index_cast %add3A_322 : i32 to index
        %get3A_324 = arith.constant 0 : index
        %get3A_325 = tpu.vector_load %arg11[%get3A_323, %get3A_324] {strides = array<i32>} : memref<1600x32xf32, #tpu.memory_space<vmem>>, vector<16xf32>,
        %add3A_326 = arith.addf %add3A_314, %get3A_325 : vector<16xf32>
        %add3A_327 = arith.constant 23 : i32
        %add3A_328 = arith.addi %mul3A_42, %add3A_327 : i32
        %get3A_329 = arith.index_cast %add3A_328 : i32 to index
        %get3A_330 = arith.constant 16 : index
        %get3A_331 = tpu.vector_load %arg11[%get3A_329, %get3A_330] {strides = array<i32>} : memref<1600x32xf32, #tpu.memory_space<vmem>>, vector<16xf32>,
        %add3A_332 = arith.addf %add3A_320, %get3A_331 : vector<16xf32>
        %add3A_333 = arith.constant 24 : i32
        %add3A_334 = arith.addi %mul3A_42, %add3A_333 : i32
        %get3A_335 = arith.index_cast %add3A_334 : i32 to index
        %get3A_336 = arith.constant 0 : index
        %get3A_337 = tpu.vector_load %arg11[%get3A_335, %get3A_336] {strides = array<i32>} : memref<1600x32xf32, #tpu.memory_space<vmem>>, vector<16xf32>,
        %add3A_338 = arith.addf %add3A_326, %get3A_337 : vector<16xf32>
        %add3A_339 = arith.constant 24 : i32
        %add3A_340 = arith.addi %mul3A_42, %add3A_339 : i32
        %get3A_341 = arith.index_cast %add3A_340 : i32 to index
        %get3A_342 = arith.constant 16 : index
        %get3A_343 = tpu.vector_load %arg11[%get3A_341, %get3A_342] {strides = array<i32>} : memref<1600x32xf32, #tpu.memory_space<vmem>>, vector<16xf32>,
        %add3A_344 = arith.addf %add3A_332, %get3A_343 : vector<16xf32>
        %add3A_345 = arith.constant 25 : i32
        %add3A_346 = arith.addi %mul3A_42, %add3A_345 : i32
        %get3A_347 = arith.index_cast %add3A_346 : i32 to index
        %get3A_348 = arith.constant 0 : index
        %get3A_349 = tpu.vector_load %arg11[%get3A_347, %get3A_348] {strides = array<i32>} : memref<1600x32xf32, #tpu.memory_space<vmem>>, vector<16xf32>,
        %add3A_350 = arith.addf %add3A_338, %get3A_349 : vector<16xf32>
        %add3A_351 = arith.constant 25 : i32
        %add3A_352 = arith.addi %mul3A_42, %add3A_351 : i32
        %get3A_353 = arith.index_cast %add3A_352 : i32 to index
        %get3A_354 = arith.constant 16 : index
        %get3A_355 = tpu.vector_load %arg11[%get3A_353, %get3A_354] {strides = array<i32>} : memref<1600x32xf32, #tpu.memory_space<vmem>>, vector<16xf32>,
        %add3A_356 = arith.addf %add3A_344, %get3A_355 : vector<16xf32>
        %add3A_357 = arith.constant 26 : i32
        %add3A_358 = arith.addi %mul3A_42, %add3A_357 : i32
        %get3A_359 = arith.index_cast %add3A_358 : i32 to index
        %get3A_360 = arith.constant 0 : index
        %get3A_361 = tpu.vector_load %arg11[%get3A_359, %get3A_360] {strides = array<i32>} : memref<1600x32xf32, #tpu.memory_space<vmem>>, vector<16xf32>,
        %add3A_362 = arith.addf %add3A_350, %get3A_361 : vector<16xf32>
        %add3A_363 = arith.constant 26 : i32
        %add3A_364 = arith.addi %mul3A_42, %add3A_363 : i32
        %get3A_365 = arith.index_cast %add3A_364 : i32 to index
        %get3A_366 = arith.constant 16 : index
        %get3A_367 = tpu.vector_load %arg11[%get3A_365, %get3A_366] {strides = array<i32>} : memref<1600x32xf32, #tpu.memory_space<vmem>>, vector<16xf32>,
        %add3A_368 = arith.addf %add3A_356, %get3A_367 : vector<16xf32>
        %add3A_369 = arith.constant 27 : i32
        %add3A_370 = arith.addi %mul3A_42, %add3A_369 : i32
        %get3A_371 = arith.index_cast %add3A_370 : i32 to index
        %get3A_372 = arith.constant 0 : index
        %get3A_373 = tpu.vector_load %arg11[%get3A_371, %get3A_372] {strides = array<i32>} : memref<1600x32xf32, #tpu.memory_space<vmem>>, vector<16xf32>,
        %add3A_374 = arith.addf %add3A_362, %get3A_373 : vector<16xf32>
        %add3A_375 = arith.constant 27 : i32
        %add3A_376 = arith.addi %mul3A_42, %add3A_375 : i32
        %get3A_377 = arith.index_cast %add3A_376 : i32 to index
        %get3A_378 = arith.constant 16 : index
        %get3A_379 = tpu.vector_load %arg11[%get3A_377, %get3A_378] {strides = array<i32>} : memref<1600x32xf32, #tpu.memory_space<vmem>>, vector<16xf32>,
        %add3A_380 = arith.addf %add3A_368, %get3A_379 : vector<16xf32>
        %add3A_381 = arith.constant 28 : i32
        %add3A_382 = arith.addi %mul3A_42, %add3A_381 : i32
        %get3A_383 = arith.index_cast %add3A_382 : i32 to index
        %get3A_384 = arith.constant 0 : index
        %get3A_385 = tpu.vector_load %arg11[%get3A_383, %get3A_384] {strides = array<i32>} : memref<1600x32xf32, #tpu.memory_space<vmem>>, vector<16xf32>,
        %add3A_386 = arith.addf %add3A_374, %get3A_385 : vector<16xf32>
        %add3A_387 = arith.constant 28 : i32
        %add3A_388 = arith.addi %mul3A_42, %add3A_387 : i32
        %get3A_389 = arith.index_cast %add3A_388 : i32 to index
        %get3A_390 = arith.constant 16 : index
        %get3A_391 = tpu.vector_load %arg11[%get3A_389, %get3A_390] {strides = array<i32>} : memref<1600x32xf32, #tpu.memory_space<vmem>>, vector<16xf32>,
        %add3A_392 = arith.addf %add3A_380, %get3A_391 : vector<16xf32>
        %add3A_393 = arith.constant 29 : i32
        %add3A_394 = arith.addi %mul3A_42, %add3A_393 : i32
        %get3A_395 = arith.index_cast %add3A_394 : i32 to index
        %get3A_396 = arith.constant 0 : index
        %get3A_397 = tpu.vector_load %arg11[%get3A_395, %get3A_396] {strides = array<i32>} : memref<1600x32xf32, #tpu.memory_space<vmem>>, vector<16xf32>,
        %add3A_398 = arith.addf %add3A_386, %get3A_397 : vector<16xf32>
        %add3A_399 = arith.constant 29 : i32
        %add3A_400 = arith.addi %mul3A_42, %add3A_399 : i32
        %get3A_401 = arith.index_cast %add3A_400 : i32 to index
        %get3A_402 = arith.constant 16 : index
        %get3A_403 = tpu.vector_load %arg11[%get3A_401, %get3A_402] {strides = array<i32>} : memref<1600x32xf32, #tpu.memory_space<vmem>>, vector<16xf32>,
        %add3A_404 = arith.addf %add3A_392, %get3A_403 : vector<16xf32>
        %add3A_405 = arith.constant 30 : i32
        %add3A_406 = arith.addi %mul3A_42, %add3A_405 : i32
        %get3A_407 = arith.index_cast %add3A_406 : i32 to index
        %get3A_408 = arith.constant 0 : index
        %get3A_409 = tpu.vector_load %arg11[%get3A_407, %get3A_408] {strides = array<i32>} : memref<1600x32xf32, #tpu.memory_space<vmem>>, vector<16xf32>,
        %add3A_410 = arith.addf %add3A_398, %get3A_409 : vector<16xf32>
        %add3A_411 = arith.constant 30 : i32
        %add3A_412 = arith.addi %mul3A_42, %add3A_411 : i32
        %get3A_413 = arith.index_cast %add3A_412 : i32 to index
        %get3A_414 = arith.constant 16 : index
        %get3A_415 = tpu.vector_load %arg11[%get3A_413, %get3A_414] {strides = array<i32>} : memref<1600x32xf32, #tpu.memory_space<vmem>>, vector<16xf32>,
        %add3A_416 = arith.addf %add3A_404, %get3A_415 : vector<16xf32>
        %add3A_417 = arith.constant 31 : i32
        %add3A_418 = arith.addi %mul3A_42, %add3A_417 : i32
        %get3A_419 = arith.index_cast %add3A_418 : i32 to index
        %get3A_420 = arith.constant 0 : index
        %get3A_421 = tpu.vector_load %arg11[%get3A_419, %get3A_420] {strides = array<i32>} : memref<1600x32xf32, #tpu.memory_space<vmem>>, vector<16xf32>,
        %add3A_422 = arith.addf %add3A_410, %get3A_421 : vector<16xf32>
        %add3A_423 = arith.constant 31 : i32
        %add3A_424 = arith.addi %mul3A_42, %add3A_423 : i32
        %get3A_425 = arith.index_cast %add3A_424 : i32 to index
        %get3A_426 = arith.constant 16 : index
        %get3A_427 = tpu.vector_load %arg11[%get3A_425, %get3A_426] {strides = array<i32>} : memref<1600x32xf32, #tpu.memory_space<vmem>>, vector<16xf32>,
        %add3A_428 = arith.addf %add3A_416, %get3A_427 : vector<16xf32>
        %add3A_429 = arith.constant 32 : i32
        %add3A_430 = arith.addi %mul3A_42, %add3A_429 : i32
        %get3A_431 = arith.index_cast %add3A_430 : i32 to index
        %get3A_432 = arith.constant 0 : index
        %get3A_433 = tpu.vector_load %arg11[%get3A_431, %get3A_432] {strides = array<i32>} : memref<1600x32xf32, #tpu.memory_space<vmem>>, vector<16xf32>,
        %add3A_434 = arith.addf %add3A_422, %get3A_433 : vector<16xf32>
        %add3A_435 = arith.constant 32 : i32
        %add3A_436 = arith.addi %mul3A_42, %add3A_435 : i32
        %get3A_437 = arith.index_cast %add3A_436 : i32 to index
        %get3A_438 = arith.constant 16 : index
        %get3A_439 = tpu.vector_load %arg11[%get3A_437, %get3A_438] {strides = array<i32>} : memref<1600x32xf32, #tpu.memory_space<vmem>>, vector<16xf32>,
        %add3A_440 = arith.addf %add3A_428, %get3A_439 : vector<16xf32>
        %add3A_441 = arith.constant 33 : i32
        %add3A_442 = arith.addi %mul3A_42, %add3A_441 : i32
        %get3A_443 = arith.index_cast %add3A_442 : i32 to index
        %get3A_444 = arith.constant 0 : index
        %get3A_445 = tpu.vector_load %arg11[%get3A_443, %get3A_444] {strides = array<i32>} : memref<1600x32xf32, #tpu.memory_space<vmem>>, vector<16xf32>,
        %add3A_446 = arith.addf %add3A_434, %get3A_445 : vector<16xf32>
        %add3A_447 = arith.constant 33 : i32
        %add3A_448 = arith.addi %mul3A_42, %add3A_447 : i32
        %get3A_449 = arith.index_cast %add3A_448 : i32 to index
        %get3A_450 = arith.constant 16 : index
        %get3A_451 = tpu.vector_load %arg11[%get3A_449, %get3A_450] {strides = array<i32>} : memref<1600x32xf32, #tpu.memory_space<vmem>>, vector<16xf32>,
        %add3A_452 = arith.addf %add3A_440, %get3A_451 : vector<16xf32>
        %add3A_453 = arith.constant 34 : i32
        %add3A_454 = arith.addi %mul3A_42, %add3A_453 : i32
        %get3A_455 = arith.index_cast %add3A_454 : i32 to index
        %get3A_456 = arith.constant 0 : index
        %get3A_457 = tpu.vector_load %arg11[%get3A_455, %get3A_456] {strides = array<i32>} : memref<1600x32xf32, #tpu.memory_space<vmem>>, vector<16xf32>,
        %add3A_458 = arith.addf %add3A_446, %get3A_457 : vector<16xf32>
        %add3A_459 = arith.constant 34 : i32
        %add3A_460 = arith.addi %mul3A_42, %add3A_459 : i32
        %get3A_461 = arith.index_cast %add3A_460 : i32 to index
        %get3A_462 = arith.constant 16 : index
        %get3A_463 = tpu.vector_load %arg11[%get3A_461, %get3A_462] {strides = array<i32>} : memref<1600x32xf32, #tpu.memory_space<vmem>>, vector<16xf32>,
        %add3A_464 = arith.addf %add3A_452, %get3A_463 : vector<16xf32>
        %add3A_465 = arith.constant 35 : i32
        %add3A_466 = arith.addi %mul3A_42, %add3A_465 : i32
        %get3A_467 = arith.index_cast %add3A_466 : i32 to index
        %get3A_468 = arith.constant 0 : index
        %get3A_469 = tpu.vector_load %arg11[%get3A_467, %get3A_468] {strides = array<i32>} : memref<1600x32xf32, #tpu.memory_space<vmem>>, vector<16xf32>,
        %add3A_470 = arith.addf %add3A_458, %get3A_469 : vector<16xf32>
        %add3A_471 = arith.constant 35 : i32
        %add3A_472 = arith.addi %mul3A_42, %add3A_471 : i32
        %get3A_473 = arith.index_cast %add3A_472 : i32 to index
        %get3A_474 = arith.constant 16 : index
        %get3A_475 = tpu.vector_load %arg11[%get3A_473, %get3A_474] {strides = array<i32>} : memref<1600x32xf32, #tpu.memory_space<vmem>>, vector<16xf32>,
        %add3A_476 = arith.addf %add3A_464, %get3A_475 : vector<16xf32>
        %add3A_477 = arith.constant 36 : i32
        %add3A_478 = arith.addi %mul3A_42, %add3A_477 : i32
        %get3A_479 = arith.index_cast %add3A_478 : i32 to index
        %get3A_480 = arith.constant 0 : index
        %get3A_481 = tpu.vector_load %arg11[%get3A_479, %get3A_480] {strides = array<i32>} : memref<1600x32xf32, #tpu.memory_space<vmem>>, vector<16xf32>,
        %add3A_482 = arith.addf %add3A_470, %get3A_481 : vector<16xf32>
        %add3A_483 = arith.constant 36 : i32
        %add3A_484 = arith.addi %mul3A_42, %add3A_483 : i32
        %get3A_485 = arith.index_cast %add3A_484 : i32 to index
        %get3A_486 = arith.constant 16 : index
        %get3A_487 = tpu.vector_load %arg11[%get3A_485, %get3A_486] {strides = array<i32>} : memref<1600x32xf32, #tpu.memory_space<vmem>>, vector<16xf32>,
        %add3A_488 = arith.addf %add3A_476, %get3A_487 : vector<16xf32>
        %add3A_489 = arith.constant 37 : i32
        %add3A_490 = arith.addi %mul3A_42, %add3A_489 : i32
        %get3A_491 = arith.index_cast %add3A_490 : i32 to index
        %get3A_492 = arith.constant 0 : index
        %get3A_493 = tpu.vector_load %arg11[%get3A_491, %get3A_492] {strides = array<i32>} : memref<1600x32xf32, #tpu.memory_space<vmem>>, vector<16xf32>,
        %add3A_494 = arith.addf %add3A_482, %get3A_493 : vector<16xf32>
        %add3A_495 = arith.constant 37 : i32
        %add3A_496 = arith.addi %mul3A_42, %add3A_495 : i32
        %get3A_497 = arith.index_cast %add3A_496 : i32 to index
        %get3A_498 = arith.constant 16 : index
        %get3A_499 = tpu.vector_load %arg11[%get3A_497, %get3A_498] {strides = array<i32>} : memref<1600x32xf32, #tpu.memory_space<vmem>>, vector<16xf32>,
        %add3A_500 = arith.addf %add3A_488, %get3A_499 : vector<16xf32>
        %add3A_501 = arith.constant 38 : i32
        %add3A_502 = arith.addi %mul3A_42, %add3A_501 : i32
        %get3A_503 = arith.index_cast %add3A_502 : i32 to index
        %get3A_504 = arith.constant 0 : index
        %get3A_505 = tpu.vector_load %arg11[%get3A_503, %get3A_504] {strides = array<i32>} : memref<1600x32xf32, #tpu.memory_space<vmem>>, vector<16xf32>,
        %add3A_506 = arith.addf %add3A_494, %get3A_505 : vector<16xf32>
        %add3A_507 = arith.constant 38 : i32
        %add3A_508 = arith.addi %mul3A_42, %add3A_507 : i32
        %get3A_509 = arith.index_cast %add3A_508 : i32 to index
        %get3A_510 = arith.constant 16 : index
        %get3A_511 = tpu.vector_load %arg11[%get3A_509, %get3A_510] {strides = array<i32>} : memref<1600x32xf32, #tpu.memory_space<vmem>>, vector<16xf32>,
        %add3A_512 = arith.addf %add3A_500, %get3A_511 : vector<16xf32>
        %add3A_513 = arith.constant 39 : i32
        %add3A_514 = arith.addi %mul3A_42, %add3A_513 : i32
        %get3A_515 = arith.index_cast %add3A_514 : i32 to index
        %get3A_516 = arith.constant 0 : index
        %get3A_517 = tpu.vector_load %arg11[%get3A_515, %get3A_516] {strides = array<i32>} : memref<1600x32xf32, #tpu.memory_space<vmem>>, vector<16xf32>,
        %add3A_518 = arith.addf %add3A_506, %get3A_517 : vector<16xf32>
        %add3A_519 = arith.constant 39 : i32
        %add3A_520 = arith.addi %mul3A_42, %add3A_519 : i32
        %get3A_521 = arith.index_cast %add3A_520 : i32 to index
        %get3A_522 = arith.constant 16 : index
        %get3A_523 = tpu.vector_load %arg11[%get3A_521, %get3A_522] {strides = array<i32>} : memref<1600x32xf32, #tpu.memory_space<vmem>>, vector<16xf32>,
        %add3A_524 = arith.addf %add3A_512, %get3A_523 : vector<16xf32>
        %add3A_525 = arith.constant 40 : i32
        %add3A_526 = arith.addi %mul3A_42, %add3A_525 : i32
        %get3A_527 = arith.index_cast %add3A_526 : i32 to index
        %get3A_528 = arith.constant 0 : index
        %get3A_529 = tpu.vector_load %arg11[%get3A_527, %get3A_528] {strides = array<i32>} : memref<1600x32xf32, #tpu.memory_space<vmem>>, vector<16xf32>,
        %add3A_530 = arith.addf %add3A_518, %get3A_529 : vector<16xf32>
        %add3A_531 = arith.constant 40 : i32
        %add3A_532 = arith.addi %mul3A_42, %add3A_531 : i32
        %get3A_533 = arith.index_cast %add3A_532 : i32 to index
        %get3A_534 = arith.constant 16 : index
        %get3A_535 = tpu.vector_load %arg11[%get3A_533, %get3A_534] {strides = array<i32>} : memref<1600x32xf32, #tpu.memory_space<vmem>>, vector<16xf32>,
        %add3A_536 = arith.addf %add3A_524, %get3A_535 : vector<16xf32>
        %add3A_537 = arith.constant 41 : i32
        %add3A_538 = arith.addi %mul3A_42, %add3A_537 : i32
        %get3A_539 = arith.index_cast %add3A_538 : i32 to index
        %get3A_540 = arith.constant 0 : index
        %get3A_541 = tpu.vector_load %arg11[%get3A_539, %get3A_540] {strides = array<i32>} : memref<1600x32xf32, #tpu.memory_space<vmem>>, vector<16xf32>,
        %add3A_542 = arith.addf %add3A_530, %get3A_541 : vector<16xf32>
        %add3A_543 = arith.constant 41 : i32
        %add3A_544 = arith.addi %mul3A_42, %add3A_543 : i32
        %get3A_545 = arith.index_cast %add3A_544 : i32 to index
        %get3A_546 = arith.constant 16 : index
        %get3A_547 = tpu.vector_load %arg11[%get3A_545, %get3A_546] {strides = array<i32>} : memref<1600x32xf32, #tpu.memory_space<vmem>>, vector<16xf32>,
        %add3A_548 = arith.addf %add3A_536, %get3A_547 : vector<16xf32>
        %add3A_549 = arith.constant 42 : i32
        %add3A_550 = arith.addi %mul3A_42, %add3A_549 : i32
        %get3A_551 = arith.index_cast %add3A_550 : i32 to index
        %get3A_552 = arith.constant 0 : index
        %get3A_553 = tpu.vector_load %arg11[%get3A_551, %get3A_552] {strides = array<i32>} : memref<1600x32xf32, #tpu.memory_space<vmem>>, vector<16xf32>,
        %add3A_554 = arith.addf %add3A_542, %get3A_553 : vector<16xf32>
        %add3A_555 = arith.constant 42 : i32
        %add3A_556 = arith.addi %mul3A_42, %add3A_555 : i32
        %get3A_557 = arith.index_cast %add3A_556 : i32 to index
        %get3A_558 = arith.constant 16 : index
        %get3A_559 = tpu.vector_load %arg11[%get3A_557, %get3A_558] {strides = array<i32>} : memref<1600x32xf32, #tpu.memory_space<vmem>>, vector<16xf32>,
        %add3A_560 = arith.addf %add3A_548, %get3A_559 : vector<16xf32>
        %add3A_561 = arith.constant 43 : i32
        %add3A_562 = arith.addi %mul3A_42, %add3A_561 : i32
        %get3A_563 = arith.index_cast %add3A_562 : i32 to index
        %get3A_564 = arith.constant 0 : index
        %get3A_565 = tpu.vector_load %arg11[%get3A_563, %get3A_564] {strides = array<i32>} : memref<1600x32xf32, #tpu.memory_space<vmem>>, vector<16xf32>,
        %add3A_566 = arith.addf %add3A_554, %get3A_565 : vector<16xf32>
        %add3A_567 = arith.constant 43 : i32
        %add3A_568 = arith.addi %mul3A_42, %add3A_567 : i32
        %get3A_569 = arith.index_cast %add3A_568 : i32 to index
        %get3A_570 = arith.constant 16 : index
        %get3A_571 = tpu.vector_load %arg11[%get3A_569, %get3A_570] {strides = array<i32>} : memref<1600x32xf32, #tpu.memory_space<vmem>>, vector<16xf32>,
        %add3A_572 = arith.addf %add3A_560, %get3A_571 : vector<16xf32>
        %add3A_573 = arith.constant 44 : i32
        %add3A_574 = arith.addi %mul3A_42, %add3A_573 : i32
        %get3A_575 = arith.index_cast %add3A_574 : i32 to index
        %get3A_576 = arith.constant 0 : index
        %get3A_577 = tpu.vector_load %arg11[%get3A_575, %get3A_576] {strides = array<i32>} : memref<1600x32xf32, #tpu.memory_space<vmem>>, vector<16xf32>,
        %add3A_578 = arith.addf %add3A_566, %get3A_577 : vector<16xf32>
        %add3A_579 = arith.constant 44 : i32
        %add3A_580 = arith.addi %mul3A_42, %add3A_579 : i32
        %get3A_581 = arith.index_cast %add3A_580 : i32 to index
        %get3A_582 = arith.constant 16 : index
        %get3A_583 = tpu.vector_load %arg11[%get3A_581, %get3A_582] {strides = array<i32>} : memref<1600x32xf32, #tpu.memory_space<vmem>>, vector<16xf32>,
        %add3A_584 = arith.addf %add3A_572, %get3A_583 : vector<16xf32>
        %add3A_585 = arith.constant 45 : i32
        %add3A_586 = arith.addi %mul3A_42, %add3A_585 : i32
        %get3A_587 = arith.index_cast %add3A_586 : i32 to index
        %get3A_588 = arith.constant 0 : index
        %get3A_589 = tpu.vector_load %arg11[%get3A_587, %get3A_588] {strides = array<i32>} : memref<1600x32xf32, #tpu.memory_space<vmem>>, vector<16xf32>,
        %add3A_590 = arith.addf %add3A_578, %get3A_589 : vector<16xf32>
        %add3A_591 = arith.constant 45 : i32
        %add3A_592 = arith.addi %mul3A_42, %add3A_591 : i32
        %get3A_593 = arith.index_cast %add3A_592 : i32 to index
        %get3A_594 = arith.constant 16 : index
        %get3A_595 = tpu.vector_load %arg11[%get3A_593, %get3A_594] {strides = array<i32>} : memref<1600x32xf32, #tpu.memory_space<vmem>>, vector<16xf32>,
        %add3A_596 = arith.addf %add3A_584, %get3A_595 : vector<16xf32>
        %add3A_597 = arith.constant 46 : i32
        %add3A_598 = arith.addi %mul3A_42, %add3A_597 : i32
        %get3A_599 = arith.index_cast %add3A_598 : i32 to index
        %get3A_600 = arith.constant 0 : index
        %get3A_601 = tpu.vector_load %arg11[%get3A_599, %get3A_600] {strides = array<i32>} : memref<1600x32xf32, #tpu.memory_space<vmem>>, vector<16xf32>,
        %add3A_602 = arith.addf %add3A_590, %get3A_601 : vector<16xf32>
        %add3A_603 = arith.constant 46 : i32
        %add3A_604 = arith.addi %mul3A_42, %add3A_603 : i32
        %get3A_605 = arith.index_cast %add3A_604 : i32 to index
        %get3A_606 = arith.constant 16 : index
        %get3A_607 = tpu.vector_load %arg11[%get3A_605, %get3A_606] {strides = array<i32>} : memref<1600x32xf32, #tpu.memory_space<vmem>>, vector<16xf32>,
        %add3A_608 = arith.addf %add3A_596, %get3A_607 : vector<16xf32>
        %add3A_609 = arith.constant 47 : i32
        %add3A_610 = arith.addi %mul3A_42, %add3A_609 : i32
        %get3A_611 = arith.index_cast %add3A_610 : i32 to index
        %get3A_612 = arith.constant 0 : index
        %get3A_613 = tpu.vector_load %arg11[%get3A_611, %get3A_612] {strides = array<i32>} : memref<1600x32xf32, #tpu.memory_space<vmem>>, vector<16xf32>,
        %add3A_614 = arith.addf %add3A_602, %get3A_613 : vector<16xf32>
        %add3A_615 = arith.constant 47 : i32
        %add3A_616 = arith.addi %mul3A_42, %add3A_615 : i32
        %get3A_617 = arith.index_cast %add3A_616 : i32 to index
        %get3A_618 = arith.constant 16 : index
        %get3A_619 = tpu.vector_load %arg11[%get3A_617, %get3A_618] {strides = array<i32>} : memref<1600x32xf32, #tpu.memory_space<vmem>>, vector<16xf32>,
        %add3A_620 = arith.addf %add3A_608, %get3A_619 : vector<16xf32>
        %add3A_621 = arith.constant 48 : i32
        %add3A_622 = arith.addi %mul3A_42, %add3A_621 : i32
        %get3A_623 = arith.index_cast %add3A_622 : i32 to index
        %get3A_624 = arith.constant 0 : index
        %get3A_625 = tpu.vector_load %arg11[%get3A_623, %get3A_624] {strides = array<i32>} : memref<1600x32xf32, #tpu.memory_space<vmem>>, vector<16xf32>,
        %add3A_626 = arith.addf %add3A_614, %get3A_625 : vector<16xf32>
        %add3A_627 = arith.constant 48 : i32
        %add3A_628 = arith.addi %mul3A_42, %add3A_627 : i32
        %get3A_629 = arith.index_cast %add3A_628 : i32 to index
        %get3A_630 = arith.constant 16 : index
        %get3A_631 = tpu.vector_load %arg11[%get3A_629, %get3A_630] {strides = array<i32>} : memref<1600x32xf32, #tpu.memory_space<vmem>>, vector<16xf32>,
        %add3A_632 = arith.addf %add3A_620, %get3A_631 : vector<16xf32>
        %add3A_633 = arith.constant 49 : i32
        %add3A_634 = arith.addi %mul3A_42, %add3A_633 : i32
        %get3A_635 = arith.index_cast %add3A_634 : i32 to index
        %get3A_636 = arith.constant 0 : index
        %get3A_637 = tpu.vector_load %arg11[%get3A_635, %get3A_636] {strides = array<i32>} : memref<1600x32xf32, #tpu.memory_space<vmem>>, vector<16xf32>,
        %add3A_638 = arith.addf %add3A_626, %get3A_637 : vector<16xf32>
        %add3A_639 = arith.constant 49 : i32
        %add3A_640 = arith.addi %mul3A_42, %add3A_639 : i32
        %get3A_641 = arith.index_cast %add3A_640 : i32 to index
        %get3A_642 = arith.constant 16 : index
        %get3A_643 = tpu.vector_load %arg11[%get3A_641, %get3A_642] {strides = array<i32>} : memref<1600x32xf32, #tpu.memory_space<vmem>>, vector<16xf32>,
        %add3A_644 = arith.addf %add3A_632, %get3A_643 : vector<16xf32>
        %swap3A = arith.index_cast %scan3A_40 : i32 to index
        %swap3A_645 = arith.constant 0 : index
        %swap3A_646 = tpu.vector_load %arg16[%swap3A, %swap3A_645] {strides = array<i32>} : memref<32x32xf32, #tpu.memory_space<vmem>>, vector<16xf32>,
        tpu.vector_store %arg16[%swap3A, %swap3A_645], %add3A_638 {strides = array<i32>} : memref<32x32xf32, #tpu.memory_space<vmem>>, vector<16xf32>,
        %swap3A_647 = arith.index_cast %scan3A_40 : i32 to index
        %swap3A_648 = arith.constant 16 : index
        %swap3A_649 = tpu.vector_load %arg16[%swap3A_647, %swap3A_648] {strides = array<i32>} : memref<32x32xf32, #tpu.memory_space<vmem>>, vector<16xf32>,
        tpu.vector_store %arg16[%swap3A_647, %swap3A_648], %add3A_644 {strides = array<i32>} : memref<32x32xf32, #tpu.memory_space<vmem>>, vector<16xf32>,
      }
      %scan3A_27 = arith.constant 32 : i32
      %scan3A_28 = arith.constant 0 : i32
      %scan3A_29 = arith.constant 0 : i32
      %scan3A_30 = arith.constant 256 : i32
      %scan3A_31 = arith.addi %scan3A_29, %scan3A_30 : i32
      %scan3A_32 = arith.constant 1 : i32
      scf.for %scan3A_40 = %scan3A_29 to %scan3A_31 step %scan3A_32  : i32 {
        %mul3A_41 = arith.constant 16 : i32
        %mul3A_42 = arith.muli %scan3A_40, %mul3A_41 : i32
        %add3A_43 = vector.broadcast %mul3A_42 : i32 to vector<16xi32>
        %add3A_44 = arith.addi %add3A_43, %iota3A : vector<16xi32>
        %shift_right_arithmetic3A = arith.constant 7 : i32
        %shift_right_arithmetic3A_45 = vector.broadcast %shift_right_arithmetic3A : i32 to vector<16xi32>
        %shift_right_arithmetic3A_46 = arith.shrsi %add3A_44, %shift_right_arithmetic3A_45 : vector<16xi32>
        %and3A = arith.constant 127 : i32
        %and3A_47 = vector.broadcast %and3A : i32 to vector<16xi32>
        %and3A_48 = arith.andi %add3A_44, %and3A_47 : vector<16xi32>
        %mul3A_49 = arith.constant 104 : i32
        %mul3A_50 = vector.broadcast %mul3A_49 : i32 to vector<16xi32>
        %mul3A_51 = arith.muli %shift_right_arithmetic3A_46, %mul3A_50 : vector<16xi32>
        %min3A = arith.constant 103 : i32
        %min3A_52 = vector.broadcast %min3A : i32 to vector<16xi32>
        %min3A_53 = arith.minsi %and3A_48, %min3A_52 : vector<16xi32>
        %add3A_54 = arith.addi %mul3A_51, %min3A_53 : vector<16xi32>
        %gather3A = tpu.vector_load_idx %arg14[%add3A_54] : memref<3328xf32, #tpu.memory_space<vmem>>[vector<16xi32>], vector<16xf32>,
        %shift_right_arithmetic3A_55 = arith.constant 3 : i32
        %shift_right_arithmetic3A_56 = arith.shrsi %scan3A_40, %shift_right_arithmetic3A_55 : i32
        %and3A_57 = arith.constant 7 : i32
        %and3A_58 = arith.andi %scan3A_40, %and3A_57 : i32
        %mul3A_59 = arith.constant 16 : i32
        %mul3A_60 = arith.muli %and3A_58, %mul3A_59 : i32
        %swap3A = arith.index_cast %shift_right_arithmetic3A_56 : i32 to index
        %swap3A_61 = arith.index_cast %mul3A_60 : i32 to index
        %swap3A_62 = tpu.vector_load %arg17[%swap3A, %swap3A_61] {strides = array<i32>} : memref<32x128xf32, #tpu.memory_space<vmem>>, vector<16xf32>,
        tpu.vector_store %arg17[%swap3A, %swap3A_61], %gather3A {strides = array<i32>} : memref<32x128xf32, #tpu.memory_space<vmem>>, vector<16xf32>,
      }
      %scan3A_33 = arith.constant 256 : i32
      %scan3A_34 = arith.constant 0 : i32
      %scan3A_35 = arith.constant 0 : i32
      %scan3A_36 = arith.constant 64 : i32
      %scan3A_37 = arith.addi %scan3A_35, %scan3A_36 : i32
      %scan3A_38 = arith.constant 1 : i32
      scf.for %scan3A_40 = %scan3A_35 to %scan3A_37 step %scan3A_38  : i32 {
        %mul3A_41 = arith.constant 16 : i32
        %mul3A_42 = arith.muli %scan3A_40, %mul3A_41 : i32
        %add3A_43 = vector.broadcast %mul3A_42 : i32 to vector<16xi32>
        %add3A_44 = arith.addi %add3A_43, %iota3A : vector<16xi32>
        %shift_right_arithmetic3A = arith.constant 5 : i32
        %shift_right_arithmetic3A_45 = vector.broadcast %shift_right_arithmetic3A : i32 to vector<16xi32>
        %shift_right_arithmetic3A_46 = arith.shrsi %add3A_44, %shift_right_arithmetic3A_45 : vector<16xi32>
        %mul3A_47 = arith.constant 26 : i32
        %mul3A_48 = vector.broadcast %mul3A_47 : i32 to vector<16xi32>
        %mul3A_49 = arith.muli %shift_right_arithmetic3A_46, %mul3A_48 : vector<16xi32>
        %and3A = arith.constant 31 : i32
        %and3A_50 = vector.broadcast %and3A : i32 to vector<16xi32>
        %and3A_51 = arith.andi %add3A_44, %and3A_50 : vector<16xi32>
        %min3A = arith.constant 25 : i32
        %min3A_52 = vector.broadcast %min3A : i32 to vector<16xi32>
        %min3A_53 = arith.minsi %and3A_51, %min3A_52 : vector<16xi32>
        %add3A_54 = arith.addi %mul3A_49, %min3A_53 : vector<16xi32>
        %gather3A = tpu.vector_load_idx %arg15[%add3A_54] : memref<832xf32, #tpu.memory_space<vmem>>[vector<16xi32>], vector<16xf32>,
        %shift_right_arithmetic3A_55 = arith.constant 1 : i32
        %shift_right_arithmetic3A_56 = arith.shrsi %scan3A_40, %shift_right_arithmetic3A_55 : i32
        %and3A_57 = arith.constant 1 : i32
        %and3A_58 = arith.andi %scan3A_40, %and3A_57 : i32
        %mul3A_59 = arith.constant 16 : i32
        %mul3A_60 = arith.muli %and3A_58, %mul3A_59 : i32
        %swap3A = arith.index_cast %shift_right_arithmetic3A_56 : i32 to index
        %swap3A_61 = arith.index_cast %mul3A_60 : i32 to index
        %swap3A_62 = tpu.vector_load %arg18[%swap3A, %swap3A_61] {strides = array<i32>} : memref<32x32xf32, #tpu.memory_space<vmem>>, vector<16xf32>,
        tpu.vector_store %arg18[%swap3A, %swap3A_61], %gather3A {strides = array<i32>} : memref<32x32xf32, #tpu.memory_space<vmem>>, vector<16xf32>,
      }
      %scan3A_39 = arith.constant 64 : i32
      "tpu.region"() ({
        %run_scoped3A = tpu.sem_alloc : memref<!tpu.dma_semaphore, #tpu.memory_space<semaphore_mem>>
        %dma_start3A = arith.constant 0 : i32
        %dma_start3A_40 = tpu.memref_slice %arg7[%add3A_11, %dma_start3A] : memref<16384x32xf32, #tpu.memory_space<hbm>> -> memref<32x32xf32, #tpu.memory_space<hbm>>
        %dma_start3A_41 = arith.constant 0 : i32
        %dma_start3A_42 = tpu.memref_slice %arg7[%add3A_11, %dma_start3A_41] : memref<16384x32xf32, #tpu.memory_space<hbm>> -> memref<32x32xf32, #tpu.memory_space<hbm>>
        tpu.enqueue_dma source(%arg16 : memref<32x32xf32, #tpu.memory_space<vmem>>) target(%dma_start3A_42 : memref<32x32xf32, #tpu.memory_space<hbm>>) target_semaphore(%run_scoped3A : memref<!tpu.dma_semaphore, #tpu.memory_space<semaphore_mem>>)
        %dma_wait3A = arith.constant 0 : i32
        %dma_wait3A_43 = tpu.memref_slice %arg7[%add3A_11, %dma_wait3A] : memref<16384x32xf32, #tpu.memory_space<hbm>> -> memref<32x32xf32, #tpu.memory_space<hbm>>
        %dma_wait3A_44 = arith.constant 0 : i32
        %dma_wait3A_45 = tpu.memref_slice %arg7[%add3A_11, %dma_wait3A_44] : memref<16384x32xf32, #tpu.memory_space<hbm>> -> memref<32x32xf32, #tpu.memory_space<hbm>>
        tpu.wait_dma2 semaphore(%run_scoped3A : memref<!tpu.dma_semaphore, #tpu.memory_space<semaphore_mem>>) src(%arg16 : memref<32x32xf32, #tpu.memory_space<vmem>>) dst(%dma_wait3A_45 : memref<32x32xf32, #tpu.memory_space<hbm>>)
        tpu.yield
      }) : () -> ()
      "tpu.region"() ({
        %run_scoped3A = tpu.sem_alloc : memref<!tpu.dma_semaphore, #tpu.memory_space<semaphore_mem>>
        %dma_start3A = arith.constant 0 : i32
        %dma_start3A_40 = tpu.memref_slice %arg8[%add3A_11, %dma_start3A] : memref<16384x128xf32, #tpu.memory_space<hbm>> -> memref<32x128xf32, #tpu.memory_space<hbm>>
        %dma_start3A_41 = arith.constant 0 : i32
        %dma_start3A_42 = tpu.memref_slice %arg8[%add3A_11, %dma_start3A_41] : memref<16384x128xf32, #tpu.memory_space<hbm>> -> memref<32x128xf32, #tpu.memory_space<hbm>>
        tpu.enqueue_dma source(%arg17 : memref<32x128xf32, #tpu.memory_space<vmem>>) target(%dma_start3A_42 : memref<32x128xf32, #tpu.memory_space<hbm>>) target_semaphore(%run_scoped3A : memref<!tpu.dma_semaphore, #tpu.memory_space<semaphore_mem>>)
        %dma_wait3A = arith.constant 0 : i32
        %dma_wait3A_43 = tpu.memref_slice %arg8[%add3A_11, %dma_wait3A] : memref<16384x128xf32, #tpu.memory_space<hbm>> -> memref<32x128xf32, #tpu.memory_space<hbm>>
        %dma_wait3A_44 = arith.constant 0 : i32
        %dma_wait3A_45 = tpu.memref_slice %arg8[%add3A_11, %dma_wait3A_44] : memref<16384x128xf32, #tpu.memory_space<hbm>> -> memref<32x128xf32, #tpu.memory_space<hbm>>
        tpu.wait_dma2 semaphore(%run_scoped3A : memref<!tpu.dma_semaphore, #tpu.memory_space<semaphore_mem>>) src(%arg17 : memref<32x128xf32, #tpu.memory_space<vmem>>) dst(%dma_wait3A_45 : memref<32x128xf32, #tpu.memory_space<hbm>>)
        tpu.yield
      }) : () -> ()
      "tpu.region"() ({
        %run_scoped3A = tpu.sem_alloc : memref<!tpu.dma_semaphore, #tpu.memory_space<semaphore_mem>>
        %dma_start3A = arith.constant 0 : i32
        %dma_start3A_40 = tpu.memref_slice %arg9[%add3A_11, %dma_start3A] : memref<16384x32xf32, #tpu.memory_space<hbm>> -> memref<32x32xf32, #tpu.memory_space<hbm>>
        %dma_start3A_41 = arith.constant 0 : i32
        %dma_start3A_42 = tpu.memref_slice %arg9[%add3A_11, %dma_start3A_41] : memref<16384x32xf32, #tpu.memory_space<hbm>> -> memref<32x32xf32, #tpu.memory_space<hbm>>
        tpu.enqueue_dma source(%arg18 : memref<32x32xf32, #tpu.memory_space<vmem>>) target(%dma_start3A_42 : memref<32x32xf32, #tpu.memory_space<hbm>>) target_semaphore(%run_scoped3A : memref<!tpu.dma_semaphore, #tpu.memory_space<semaphore_mem>>)
        %dma_wait3A = arith.constant 0 : i32
        %dma_wait3A_43 = tpu.memref_slice %arg9[%add3A_11, %dma_wait3A] : memref<16384x32xf32, #tpu.memory_space<hbm>> -> memref<32x32xf32, #tpu.memory_space<hbm>>
        %dma_wait3A_44 = arith.constant 0 : i32
        %dma_wait3A_45 = tpu.memref_slice %arg9[%add3A_11, %dma_wait3A_44] : memref<16384x32xf32, #tpu.memory_space<hbm>> -> memref<32x32xf32, #tpu.memory_space<hbm>>
        tpu.wait_dma2 semaphore(%run_scoped3A : memref<!tpu.dma_semaphore, #tpu.memory_space<semaphore_mem>>) src(%arg18 : memref<32x32xf32, #tpu.memory_space<vmem>>) dst(%dma_wait3A_45 : memref<32x32xf32, #tpu.memory_space<hbm>>)
        tpu.yield
      }) : () -> ()
    }
    %scan3A_7 = arith.constant 16 : i32
    return
  }
}

module attributes {stable_mosaic.version = 14 : i64} {
  func.func @_prep_body(%arg0: i32, %arg1: memref<4000x64xf32, #tpu.memory_space<vmem>>, %arg2: memref<64x32xf32, #tpu.memory_space<vmem>>, %arg3: memref<4000x32xf32, #tpu.memory_space<vmem>>) attributes {dimension_semantics = [#tpu.dimension_semantics<arbitrary>], iteration_bounds = array<i64: 20>, scalar_prefetch = 0 : i64, scratch_operands = 0 : i64, tpu.core_type = #tpu.core_type<tc>, window_params = [{transform_indices = @transform_0, window_bounds = array<i64: 4000, 64>}, {pipeline_mode = #tpu.pipeline_mode<synchronous>, transform_indices = @transform_1, window_bounds = array<i64: 64, 32>}, {transform_indices = @transform_2, window_bounds = array<i64: 4000, 32>}]} {
    %get3A = arith.constant 0 : index
    %get3A_0 = arith.constant 0 : index
    %get3A_1 = vector.load %arg1[%get3A, %get3A_0] : memref<4000x64xf32, #tpu.memory_space<vmem>>, vector<4000x64xf32>
    %get3A_2 = arith.constant 0 : index
    %get3A_3 = arith.constant 0 : index
    %get3A_4 = vector.load %arg2[%get3A_2, %get3A_3] : memref<64x32xf32, #tpu.memory_space<vmem>>, vector<64x32xf32>
    %dot_general3A = arith.constant dense<0.000000e+00> : vector<4000x32xf32>
    %dot_general3A_5 = tpu.matmul %get3A_1, %get3A_4, %dot_general3A {dimension_numbers = #tpu.dot_dimension_numbers<[1], [0], [0], [1], [0, 0, 1, 1], [], []>, transpose_lhs_hint = false} : vector<4000x64xf32>, vector<64x32xf32>, vector<4000x32xf32> -> vector<4000x32xf32>
    %mul3A = arith.constant 2.000000e-02 : f32
    %mul3A_6 = vector.broadcast %mul3A : f32 to vector<4000x32xf32>
    %mul3A_7 = arith.mulf %dot_general3A_5, %mul3A_6 : vector<4000x32xf32>
    %swap3A = arith.constant 0 : index
    %swap3A_8 = arith.constant 0 : index
    %swap3A_9 = vector.load %arg3[%swap3A, %swap3A_8] : memref<4000x32xf32, #tpu.memory_space<vmem>>, vector<4000x32xf32>
    tpu.vector_store %arg3[%swap3A, %swap3A_8], %mul3A_7 {strides = array<i32>} : memref<4000x32xf32, #tpu.memory_space<vmem>>, vector<4000x32xf32>,
    return
  }
  func.func @transform_0(%arg0: i32) -> (i32, i32) {
    %c0_i32 = arith.constant 0 : i32
    %c0_i32_0 = arith.constant 0 : i32
    return %arg0, %c0_i32 : i32, i32
  }
  func.func @transform_1(%arg0: i32) -> (i32, i32) {
    %c0_i32 = arith.constant 0 : i32
    %c0_i32_0 = arith.constant 0 : i32
    %c0_i32_1 = arith.constant 0 : i32
    return %c0_i32, %c0_i32_0 : i32, i32
  }
  func.func @transform_2(%arg0: i32) -> (i32, i32) {
    %c0_i32 = arith.constant 0 : i32
    %c0_i32_0 = arith.constant 0 : i32
    return %arg0, %c0_i32 : i32, i32
  }
}

module attributes {stable_mosaic.version = 14 : i64} {
  func.func @_xif_body(%arg0: i32, %arg1: memref<4096x26xi32, #tpu.memory_space<vmem>>, %arg2: memref<4096x26xi32, #tpu.memory_space<vmem>>) attributes {dimension_semantics = [#tpu.dimension_semantics<arbitrary>], iteration_bounds = array<i64: 4>, scalar_prefetch = 0 : i64, scratch_operands = 0 : i64, tpu.core_type = #tpu.core_type<tc>, window_params = [{transform_indices = @transform_0, window_bounds = array<i64: 4096, 26>}, {transform_indices = @transform_1, window_bounds = array<i64: 4096, 26>}]} {
    %iota3A = tpu.iota {dimensions = array<i32: 1>} : vector<4096x26xi32>
    %get3A = arith.constant 0 : index
    %get3A_0 = arith.constant 0 : index
    %get3A_1 = vector.load %arg1[%get3A, %get3A_0] : memref<4096x26xi32, #tpu.memory_space<vmem>>, vector<4096x26xi32>
    %mul3A = arith.constant 100000 : i32
    %mul3A_2 = vector.broadcast %mul3A : i32 to vector<4096x26xi32>
    %mul3A_3 = arith.muli %iota3A, %mul3A_2 : vector<4096x26xi32>
    %add3A = arith.addi %get3A_1, %mul3A_3 : vector<4096x26xi32>
    %swap3A = arith.constant 0 : index
    %swap3A_4 = arith.constant 0 : index
    %swap3A_5 = vector.load %arg2[%swap3A, %swap3A_4] : memref<4096x26xi32, #tpu.memory_space<vmem>>, vector<4096x26xi32>
    tpu.vector_store %arg2[%swap3A, %swap3A_4], %add3A {strides = array<i32>} : memref<4096x26xi32, #tpu.memory_space<vmem>>, vector<4096x26xi32>,
    return
  }
  func.func @transform_0(%arg0: i32) -> (i32, i32) {
    %c0_i32 = arith.constant 0 : i32
    %c0_i32_0 = arith.constant 0 : i32
    return %arg0, %c0_i32 : i32, i32
  }
  func.func @transform_1(%arg0: i32) -> (i32, i32) {
    %c0_i32 = arith.constant 0 : i32
    %c0_i32_0 = arith.constant 0 : i32
    return %arg0, %c0_i32 : i32, i32
  }
}

module attributes {stable_mosaic.version = 14 : i64} {
  func.func @_mlp_body(%arg0: i32, %arg1: memref<2048x128xf32, #tpu.memory_space<vmem>>, %arg2: memref<2048x32xf32, #tpu.memory_space<vmem>>, %arg3: memref<2048x32xf32, #tpu.memory_space<vmem>>, %arg4: memref<2048x32xf32, #tpu.memory_space<vmem>>, %arg5: memref<128x32xf32, #tpu.memory_space<vmem>>, %arg6: memref<32x32xf32, #tpu.memory_space<vmem>>, %arg7: memref<32x1xf32, #tpu.memory_space<vmem>>, %arg8: memref<4x1xf32, #tpu.memory_space<vmem>>, %arg9: memref<32x1xf32, #tpu.memory_space<vmem>>, %arg10: memref<1x32xf32, #tpu.memory_space<vmem>>, %arg11: memref<1x32xf32, #tpu.memory_space<vmem>>, %arg12: memref<1x1xf32, #tpu.memory_space<vmem>>, %arg13: memref<2048x1xf32, #tpu.memory_space<vmem>>) attributes {dimension_semantics = [#tpu.dimension_semantics<arbitrary>], iteration_bounds = array<i64: 8>, scalar_prefetch = 0 : i64, scratch_operands = 0 : i64, tpu.core_type = #tpu.core_type<tc>, window_params = [{transform_indices = @transform_0, window_bounds = array<i64: 2048, 128>}, {transform_indices = @transform_1, window_bounds = array<i64: 2048, 32>}, {transform_indices = @transform_2, window_bounds = array<i64: 2048, 32>}, {transform_indices = @transform_3, window_bounds = array<i64: 2048, 32>}, {pipeline_mode = #tpu.pipeline_mode<synchronous>, transform_indices = @transform_4, window_bounds = array<i64: 128, 32>}, {pipeline_mode = #tpu.pipeline_mode<synchronous>, transform_indices = @transform_5, window_bounds = array<i64: 32, 32>}, {pipeline_mode = #tpu.pipeline_mode<synchronous>, transform_indices = @transform_6, window_bounds = array<i64: 32, 1>}, {pipeline_mode = #tpu.pipeline_mode<synchronous>, transform_indices = @transform_7, window_bounds = array<i64: 4, 1>}, {pipeline_mode = #tpu.pipeline_mode<synchronous>, transform_indices = @transform_8, window_bounds = array<i64: 32, 1>}, {pipeline_mode = #tpu.pipeline_mode<synchronous>, transform_indices = @transform_9, window_bounds = array<i64: 1, 32>}, {pipeline_mode = #tpu.pipeline_mode<synchronous>, transform_indices = @transform_10, window_bounds = array<i64: 1, 32>}, {pipeline_mode = #tpu.pipeline_mode<synchronous>, transform_indices = @transform_11, window_bounds = array<i64: 1, 1>}, {transform_indices = @transform_12, window_bounds = array<i64: 2048, 1>}]} {
    %iota3A = tpu.iota {dimensions = array<i32: 0>} : vector<32x128xi32>
    %iota3A_0 = tpu.iota {dimensions = array<i32: 1>} : vector<32x128xi32>
    %shift_right_arithmetic3A = arith.constant 2 : i32
    %shift_right_arithmetic3A_1 = vector.broadcast %shift_right_arithmetic3A : i32 to vector<32x128xi32>
    %shift_right_arithmetic3A_2 = arith.shrsi %iota3A_0, %shift_right_arithmetic3A_1 : vector<32x128xi32>
    %eq3A = arith.cmpi eq, %shift_right_arithmetic3A_2, %iota3A : vector<32x128xi32>
    %lt3A = arith.constant 104 : i32
    %lt3A_3 = vector.broadcast %lt3A : i32 to vector<32x128xi32>
    %lt3A_4 = arith.cmpi slt, %iota3A_0, %lt3A_3 : vector<32x128xi32>
    %and3A = arith.andi %eq3A, %lt3A_4 : vector<32x128xi1>
    %jit3A = arith.constant 1.000000e+00 : f32
    %jit3A_5 = arith.constant 0.000000e+00 : f32
    %broadcast_in_dim3A = vector.broadcast %jit3A : f32 to vector<32x128xf32>
    %broadcast_in_dim3A_6 = vector.broadcast %jit3A_5 : f32 to vector<32x128xf32>
    %select_n3A = arith.select %and3A, %broadcast_in_dim3A, %broadcast_in_dim3A_6 : vector<32x128xi1>, vector<32x128xf32>
    %get3A = arith.constant 0 : index
    %get3A_7 = arith.constant 0 : index
    %get3A_8 = vector.load %arg4[%get3A, %get3A_7] : memref<2048x32xf32, #tpu.memory_space<vmem>>, vector<2048x32xf32>
    %dot_general3A = arith.constant dense<0.000000e+00> : vector<2048x128xf32>
    %dot_general3A_9 = tpu.matmul %get3A_8, %select_n3A, %dot_general3A {dimension_numbers = #tpu.dot_dimension_numbers<[1], [0], [0], [1], [0, 0, 1, 1], [], []>, transpose_lhs_hint = false} : vector<2048x32xf32>, vector<32x128xf32>, vector<2048x128xf32> -> vector<2048x128xf32>
    %get3A_10 = arith.constant 0 : index
    %get3A_11 = arith.constant 0 : index
    %get3A_12 = vector.load %arg1[%get3A_10, %get3A_11] : memref<2048x128xf32, #tpu.memory_space<vmem>>, vector<2048x128xf32>
    %mul3A = arith.mulf %get3A_12, %dot_general3A_9 : vector<2048x128xf32>
    %iota3A_13 = tpu.iota {dimensions = array<i32: 0>} : vector<128x4xi32>
    %iota3A_14 = tpu.iota {dimensions = array<i32: 1>} : vector<128x4xi32>
    %jit3A_15 = arith.constant 4 : i32
    %eq3A_16 = arith.constant 0 : i32
    %eq3A_17 = arith.cmpi eq, %jit3A_15, %eq3A_16 : i32
    %jit3A_18 = arith.constant 1 : i32
    %select_n3A_19 = arith.select %eq3A_17, %jit3A_18, %jit3A_15 : i32
    %rem3A = vector.broadcast %select_n3A_19 : i32 to vector<128x4xi32>
    %rem3A_20 = arith.remsi %iota3A_13, %rem3A : vector<128x4xi32>
    %ne3A = arith.constant 0 : i32
    %ne3A_21 = vector.broadcast %ne3A : i32 to vector<128x4xi32>
    %ne3A_22 = arith.cmpi ne, %rem3A_20, %ne3A_21 : vector<128x4xi32>
    %lt3A_23 = arith.constant 0 : i32
    %lt3A_24 = vector.broadcast %lt3A_23 : i32 to vector<128x4xi32>
    %lt3A_25 = arith.cmpi slt, %rem3A_20, %lt3A_24 : vector<128x4xi32>
    %lt3A_26 = arith.constant 0 : i32
    %lt3A_27 = arith.cmpi slt, %select_n3A_19, %lt3A_26 : i32
    %ne3A_28 = vector.broadcast %lt3A_27 : i1 to vector<128x4xi1>
    %ne3A_29 = vector.broadcast %ne3A_28 : vector<128x4xi1> to vector<128x4xi1>
    %ne3A_30 = arith.xori %lt3A_25, %ne3A_29 : vector<128x4xi1>
    %and3A_31 = arith.andi %ne3A_30, %ne3A_22 : vector<128x4xi1>
    %add3A = vector.broadcast %select_n3A_19 : i32 to vector<128x4xi32>
    %add3A_32 = arith.addi %rem3A_20, %add3A : vector<128x4xi32>
    %select_n3A_33 = arith.select %and3A_31, %add3A_32, %rem3A_20 : vector<128x4xi1>, vector<128x4xi32>
    %eq3A_34 = arith.cmpi eq, %select_n3A_33, %iota3A_14 : vector<128x4xi32>
    %lt3A_35 = arith.constant 104 : i32
    %lt3A_36 = vector.broadcast %lt3A_35 : i32 to vector<128x4xi32>
    %lt3A_37 = arith.cmpi slt, %iota3A_13, %lt3A_36 : vector<128x4xi32>
    %and3A_38 = arith.andi %eq3A_34, %lt3A_37 : vector<128x4xi1>
    %jit3A_39 = arith.constant 1.000000e+00 : f32
    %jit3A_40 = arith.constant 0.000000e+00 : f32
    %broadcast_in_dim3A_41 = vector.broadcast %jit3A_39 : f32 to vector<128x4xf32>
    %broadcast_in_dim3A_42 = vector.broadcast %jit3A_40 : f32 to vector<128x4xf32>
    %select_n3A_43 = arith.select %and3A_38, %broadcast_in_dim3A_41, %broadcast_in_dim3A_42 : vector<128x4xi1>, vector<128x4xf32>
    %dot_general3A_44 = arith.constant dense<0.000000e+00> : vector<2048x4xf32>
    %dot_general3A_45 = tpu.matmul %mul3A, %select_n3A_43, %dot_general3A_44 {dimension_numbers = #tpu.dot_dimension_numbers<[1], [0], [0], [1], [0, 0, 1, 1], [], []>, transpose_lhs_hint = false} : vector<2048x128xf32>, vector<128x4xf32>, vector<2048x4xf32> -> vector<2048x4xf32>
    %mul3A_46 = arith.mulf %mul3A, %mul3A : vector<2048x128xf32>
    %dot_general3A_47 = arith.constant dense<0.000000e+00> : vector<2048x4xf32>
    %dot_general3A_48 = tpu.matmul %mul3A_46, %select_n3A_43, %dot_general3A_47 {dimension_numbers = #tpu.dot_dimension_numbers<[1], [0], [0], [1], [0, 0, 1, 1], [], []>, transpose_lhs_hint = false} : vector<2048x128xf32>, vector<128x4xf32>, vector<2048x4xf32> -> vector<2048x4xf32>
    %mul3A_49 = arith.mulf %dot_general3A_45, %dot_general3A_45 : vector<2048x4xf32>
    %sub3A = arith.subf %mul3A_49, %dot_general3A_48 : vector<2048x4xf32>
    %mul3A_50 = arith.constant 5.000000e-01 : f32
    %mul3A_51 = vector.broadcast %mul3A_50 : f32 to vector<2048x4xf32>
    %mul3A_52 = arith.mulf %mul3A_51, %sub3A : vector<2048x4xf32>
    %get3A_53 = arith.constant 0 : index
    %get3A_54 = arith.constant 0 : index
    %get3A_55 = vector.load %arg5[%get3A_53, %get3A_54] : memref<128x32xf32, #tpu.memory_space<vmem>>, vector<128x32xf32>
    %dot_general3A_56 = arith.constant dense<0.000000e+00> : vector<2048x32xf32>
    %dot_general3A_57 = tpu.matmul %mul3A, %get3A_55, %dot_general3A_56 {dimension_numbers = #tpu.dot_dimension_numbers<[1], [0], [0], [1], [0, 0, 1, 1], [], []>, transpose_lhs_hint = false} : vector<2048x128xf32>, vector<128x32xf32>, vector<2048x32xf32> -> vector<2048x32xf32>
    %get3A_58 = arith.constant 0 : index
    %get3A_59 = arith.constant 0 : index
    %get3A_60 = vector.load %arg3[%get3A_58, %get3A_59] : memref<2048x32xf32, #tpu.memory_space<vmem>>, vector<2048x32xf32>
    %add3A_61 = arith.addf %dot_general3A_57, %get3A_60 : vector<2048x32xf32>
    %get3A_62 = arith.constant 0 : index
    %get3A_63 = arith.constant 0 : index
    %get3A_64 = vector.load %arg10[%get3A_62, %get3A_63] : memref<1x32xf32, #tpu.memory_space<vmem>>, vector<1x32xf32>
    %add3A_65 = vector.broadcast %get3A_64 : vector<1x32xf32> to vector<2048x32xf32>
    %add3A_66 = arith.addf %add3A_61, %add3A_65 : vector<2048x32xf32>
    %max3A = arith.constant 0.000000e+00 : f32
    %max3A_67 = vector.broadcast %max3A : f32 to vector<2048x32xf32>
    %max3A_68 = arith.maximumf %add3A_66, %max3A_67 : vector<2048x32xf32>
    %get3A_69 = arith.constant 0 : index
    %get3A_70 = arith.constant 0 : index
    %get3A_71 = vector.load %arg6[%get3A_69, %get3A_70] : memref<32x32xf32, #tpu.memory_space<vmem>>, vector<32x32xf32>
    %dot_general3A_72 = arith.constant dense<0.000000e+00> : vector<2048x32xf32>
    %dot_general3A_73 = tpu.matmul %max3A_68, %get3A_71, %dot_general3A_72 {dimension_numbers = #tpu.dot_dimension_numbers<[1], [0], [0], [1], [0, 0, 1, 1], [], []>, transpose_lhs_hint = false} : vector<2048x32xf32>, vector<32x32xf32>, vector<2048x32xf32> -> vector<2048x32xf32>
    %get3A_74 = arith.constant 0 : index
    %get3A_75 = arith.constant 0 : index
    %get3A_76 = vector.load %arg11[%get3A_74, %get3A_75] : memref<1x32xf32, #tpu.memory_space<vmem>>, vector<1x32xf32>
    %add3A_77 = vector.broadcast %get3A_76 : vector<1x32xf32> to vector<2048x32xf32>
    %add3A_78 = arith.addf %dot_general3A_73, %add3A_77 : vector<2048x32xf32>
    %max3A_79 = arith.constant 0.000000e+00 : f32
    %max3A_80 = vector.broadcast %max3A_79 : f32 to vector<2048x32xf32>
    %max3A_81 = arith.maximumf %add3A_78, %max3A_80 : vector<2048x32xf32>
    %get3A_82 = arith.constant 0 : index
    %get3A_83 = arith.constant 0 : index
    %get3A_84 = vector.load %arg2[%get3A_82, %get3A_83] : memref<2048x32xf32, #tpu.memory_space<vmem>>, vector<2048x32xf32>
    %get3A_85 = arith.constant 0 : index
    %get3A_86 = arith.constant 0 : index
    %get3A_87 = vector.load %arg4[%get3A_85, %get3A_86] : memref<2048x32xf32, #tpu.memory_space<vmem>>, vector<2048x32xf32>
    %mul3A_88 = arith.mulf %get3A_84, %get3A_87 : vector<2048x32xf32>
    %get3A_89 = arith.constant 0 : index
    %get3A_90 = arith.constant 0 : index
    %get3A_91 = vector.load %arg7[%get3A_89, %get3A_90] : memref<32x1xf32, #tpu.memory_space<vmem>>, vector<32x1xf32>
    %dot_general3A_92 = arith.constant dense<0.000000e+00> : vector<2048x1xf32>
    %dot_general3A_93 = tpu.matmul %mul3A_88, %get3A_91, %dot_general3A_92 {dimension_numbers = #tpu.dot_dimension_numbers<[1], [0], [0], [1], [0, 0, 1, 1], [], []>, transpose_lhs_hint = false} : vector<2048x32xf32>, vector<32x1xf32>, vector<2048x1xf32> -> vector<2048x1xf32>
    %get3A_94 = arith.constant 0 : index
    %get3A_95 = arith.constant 0 : index
    %get3A_96 = vector.load %arg8[%get3A_94, %get3A_95] : memref<4x1xf32, #tpu.memory_space<vmem>>, vector<4x1xf32>
    %dot_general3A_97 = arith.constant dense<0.000000e+00> : vector<2048x1xf32>
    %dot_general3A_98 = tpu.matmul %mul3A_52, %get3A_96, %dot_general3A_97 {dimension_numbers = #tpu.dot_dimension_numbers<[1], [0], [0], [1], [0, 0, 1, 1], [], []>, transpose_lhs_hint = false} : vector<2048x4xf32>, vector<4x1xf32>, vector<2048x1xf32> -> vector<2048x1xf32>
    %add3A_99 = arith.addf %dot_general3A_93, %dot_general3A_98 : vector<2048x1xf32>
    %get3A_100 = arith.constant 0 : index
    %get3A_101 = arith.constant 0 : index
    %get3A_102 = vector.load %arg9[%get3A_100, %get3A_101] : memref<32x1xf32, #tpu.memory_space<vmem>>, vector<32x1xf32>
    %dot_general3A_103 = arith.constant dense<0.000000e+00> : vector<2048x1xf32>
    %dot_general3A_104 = tpu.matmul %max3A_81, %get3A_102, %dot_general3A_103 {dimension_numbers = #tpu.dot_dimension_numbers<[1], [0], [0], [1], [0, 0, 1, 1], [], []>, transpose_lhs_hint = false} : vector<2048x32xf32>, vector<32x1xf32>, vector<2048x1xf32> -> vector<2048x1xf32>
    %add3A_105 = arith.addf %add3A_99, %dot_general3A_104 : vector<2048x1xf32>
    %get3A_106 = arith.constant 0 : index
    %get3A_107 = arith.constant 0 : index
    %get3A_108 = vector.load %arg12[%get3A_106, %get3A_107] : memref<1x1xf32, #tpu.memory_space<vmem>>, vector<1x1xf32>
    %get3A_109 = vector.extract %get3A_108[0, 0] : f32 from vector<1x1xf32>
    %add3A_110 = vector.broadcast %get3A_109 : f32 to vector<2048x1xf32>
    %add3A_111 = arith.addf %add3A_105, %add3A_110 : vector<2048x1xf32>
    %logistic3A = arith.negf %add3A_111 : vector<2048x1xf32>
    %logistic3A_112 = math.exp %logistic3A : vector<2048x1xf32>
    %logistic3A_113 = arith.constant 1.000000e+00 : f32
    %logistic3A_114 = vector.broadcast %logistic3A_113 : f32 to vector<2048x1xf32>
    %logistic3A_115 = arith.addf %logistic3A_114, %logistic3A_112 : vector<2048x1xf32>
    %logistic3A_116 = arith.divf %logistic3A_114, %logistic3A_115 : vector<2048x1xf32>
    %swap3A = arith.constant 0 : index
    %swap3A_117 = arith.constant 0 : index
    %swap3A_118 = vector.load %arg13[%swap3A, %swap3A_117] : memref<2048x1xf32, #tpu.memory_space<vmem>>, vector<2048x1xf32>
    tpu.vector_store %arg13[%swap3A, %swap3A_117], %logistic3A_116 {strides = array<i32>} : memref<2048x1xf32, #tpu.memory_space<vmem>>, vector<2048x1xf32>,
    return
  }
  func.func @transform_0(%arg0: i32) -> (i32, i32) {
    %c0_i32 = arith.constant 0 : i32
    %c0_i32_0 = arith.constant 0 : i32
    return %arg0, %c0_i32 : i32, i32
  }
  func.func @transform_1(%arg0: i32) -> (i32, i32) {
    %c0_i32 = arith.constant 0 : i32
    %c0_i32_0 = arith.constant 0 : i32
    return %arg0, %c0_i32 : i32, i32
  }
  func.func @transform_2(%arg0: i32) -> (i32, i32) {
    %c0_i32 = arith.constant 0 : i32
    %c0_i32_0 = arith.constant 0 : i32
    return %arg0, %c0_i32 : i32, i32
  }
  func.func @transform_3(%arg0: i32) -> (i32, i32) {
    %c0_i32 = arith.constant 0 : i32
    %c0_i32_0 = arith.constant 0 : i32
    return %arg0, %c0_i32 : i32, i32
  }
  func.func @transform_4(%arg0: i32) -> (i32, i32) {
    %c0_i32 = arith.constant 0 : i32
    %c0_i32_0 = arith.constant 0 : i32
    %c0_i32_1 = arith.constant 0 : i32
    return %c0_i32, %c0_i32_0 : i32, i32
  }
  func.func @transform_5(%arg0: i32) -> (i32, i32) {
    %c0_i32 = arith.constant 0 : i32
    %c0_i32_0 = arith.constant 0 : i32
    %c0_i32_1 = arith.constant 0 : i32
    return %c0_i32, %c0_i32_0 : i32, i32
  }
  func.func @transform_6(%arg0: i32) -> (i32, i32) {
    %c0_i32 = arith.constant 0 : i32
    %c0_i32_0 = arith.constant 0 : i32
    %c0_i32_1 = arith.constant 0 : i32
    return %c0_i32, %c0_i32_0 : i32, i32
  }
  func.func @transform_7(%arg0: i32) -> (i32, i32) {
    %c0_i32 = arith.constant 0 : i32
    %c0_i32_0 = arith.constant 0 : i32
    %c0_i32_1 = arith.constant 0 : i32
    return %c0_i32, %c0_i32_0 : i32, i32
  }
  func.func @transform_8(%arg0: i32) -> (i32, i32) {
    %c0_i32 = arith.constant 0 : i32
    %c0_i32_0 = arith.constant 0 : i32
    %c0_i32_1 = arith.constant 0 : i32
    return %c0_i32, %c0_i32_0 : i32, i32
  }
  func.func @transform_9(%arg0: i32) -> (i32, i32) {
    %c0_i32 = arith.constant 0 : i32
    %c0_i32_0 = arith.constant 0 : i32
    %c0_i32_1 = arith.constant 0 : i32
    return %c0_i32, %c0_i32_0 : i32, i32
  }
  func.func @transform_10(%arg0: i32) -> (i32, i32) {
    %c0_i32 = arith.constant 0 : i32
    %c0_i32_0 = arith.constant 0 : i32
    %c0_i32_1 = arith.constant 0 : i32
    return %c0_i32, %c0_i32_0 : i32, i32
  }
  func.func @transform_11(%arg0: i32) -> (i32, i32) {
    %c0_i32 = arith.constant 0 : i32
    %c0_i32_0 = arith.constant 0 : i32
    %c0_i32_1 = arith.constant 0 : i32
    return %c0_i32, %c0_i32_0 : i32, i32
  }
  func.func @transform_12(%arg0: i32) -> (i32, i32) {
    %c0_i32 = arith.constant 0 : i32
    %c0_i32_0 = arith.constant 0 : i32
    return %arg0, %c0_i32 : i32, i32
  }
}

</mosaic_0001>

<sc_bundles>
// kernel: kernel.6.cloned.1.call-start
scs
__scs_entry_jumppad:
0x0: {  	(pc) =	sbr.rel $0x88, $3  }
0x1: {  	(tag) =	ssettag $0x0;
	lr =	simm.s32 $0x1  }
0x2: {  	[smem:$0x3F94] =	sst lr;
	_ =	strace $0xD0000000  }
0x3: {  	_ = 	snop  }
0x4: {  	_ = 	snop  }
0x5: {  	_ = 	snop  }
0x6: {  	_ = 	snop  }
0x7: {  	_ = 	snop  }
__scs_overlays_trampoline_lowered:
0x8: {  	[smem:$0x3FA3] =	sst s0  }
0x9: {  	[smem:$0x3FA4] =	sst s1  }
0xa: {  	[smem:$0x3FA5] =	sst s2  }
0xb: {  	[smem:$0x3FA6] =	sst s3  }
0xc: {  	[smem:$0x3FA7] =	sst s4  }
0xd: {  	[smem:$0x3FA8] =	sst s5  }
0xe: {  	[smem:$0x3FA9] =	sst s6  }
0xf: {  	[smem:$0x3FAA] =	sst s7  }
0x10: {  	[smem:$0x3FAB] =	sst s8  }
0x11: {  	[smem:$0x3FAC] =	sst s9;
	s0 =	simm.s32 @!p0 $0x0  }
0x12: {  	s1 =	sld [smem:$0x3F92];
	s0 =	simm.s32 @p0 $0x1  }
0x13: {  	[smem:$0x3FAD] =	sst s0;
	s0 =	simm.s32 @!p1 $0x0  }
0x14: {  	s2 =	sld [smem:$0x3F91];
	s0 =	simm.s32 @p1 $0x1  }
0x15: {  	[smem:$0x3FAE] =	sst s0;
	s0 =	simm.s32 @!p2 $0x0  }
0x16: {  	s3 =	sld [smem:$0x3FDB];
	s0 =	simm.s32 @p2 $0x1  }
0x17: {  	s4 =	simm.s32 $0x1BF5;
	[smem:$0x3FB0] =	sst s0  }
0x18: {  	s0 =	sld [smem:$0x3F93];
	_ =	swait.ge [sflag:s4], $0x0  }
0x19: {  	s7 =	sld [smem:$0x3F94]  }
0x1a: {  	s8 =	sadd.s32 $0xFFFFE003, lr  }
0x1b: {  	s9 =	sadd.s32 $0xFFFFFEF7, lr;
	s5 =	simm.s32 $0xFFFFFFFF;
	p2 =	slt.u32 s8, $0xFFFFF086  }
0x1c: {  	p1 =	slt.u32 s9, $0xF7A;
	s5 =	simm.s32 @!p2 $0x0  }
0x1d: {  	s5 =	simm.s32 @p1 $0x1;
	p0 =	seq.s32 s7, s2  }
0x1e: {  	s7 =	smul.u32 @!p0 $0xF7A, s2;
	p2 =	seq.s32 @!p0 s5, $0x0  }
0x1f: {  	s9 =	smul.u32 $0xF7A, s1;
	s8 =	simm.s32 @!p0 $0x1BF5;
	p2 =	por !p2, p0  }
0x20: {  	[sflag:s8] =	ssyncset.s32 @!p0 $0xFFFFF086;
	s6 =	sadd.s32 @!p0 s3, s7;
	s7 =	simm.s32 @!p0 $0x108  }
0x21: {  	s3 =	sadd.s32 s3, s9;
	s6 =	sadd.s32 @!p0 $0x88, s6;
	s7 =	simm.s32 @p2 $0x1082  }
0x22: {  	[simem:s7], [sflag:s8] =	dma.local @!p0 [hbm:s6], $0xF7A  }
0x23: {  	s9 =	sor.u32 $0xD0000000, s2;
	s6 =	simm.s32 $0x108;
	_ =	swait.ge @!p0 [sflag:s8], $0x0  }
0x24: {  	s3 =	sadd.s32 $0x88, s3;
	s6 =	simm.s32 @!p1 $0x1082;
	[sflag:s4] =	ssyncset.s32 $0xFFFFF086  }
0x25: {  	[simem:s6], [sflag:s4] =	dma.local [hbm:s3], $0xF7A  }
0x26: {  	[smem:$0x3F94] =	sst s1;
	(tag) =	ssettag s2;
	_ =	strace s9  }
0x27: {  	s1 =	sld [smem:$0x3FA4]  }
0x28: {  	s2 =	sld [smem:$0x3FA5]  }
0x29: {  	s4 =	sld [smem:$0x3FA7]  }
0x2a: {  	p0 =	seq.s32 s5, $0x0;
	s5 =	sld [smem:$0x3FA8]  }
0x2b: {  	s6 =	sld [smem:$0x3FA9]  }
0x2c: {  	s7 =	sld [smem:$0x3FAA]  }
0x2d: {  	s3 =	simm.s32 $0x108;
	s8 =	sld [smem:$0x3FAB]  }
0x2e: {  	s3 =	simm.s32 @!p0 $0x1082;
	s9 =	sld [smem:$0x3FAC]  }
0x2f: {  	lr =	sadd.s32 s0, s3;
	s0 =	sld [smem:$0x3FA3]  }
0x30: {  	s3 =	sld [smem:$0x3FA6]  }
0x31: {  	[smem:$0x3FAF] =	sst s10  }
0x32: {  	s10 =	sld [smem:$0x3FAD];
	_ =	sdelay $0x3  }
0x33: {  	p0 =	seq.s32 s10, $0x1;
	s10 =	sld [smem:$0x3FAF];
	_ =	sdelay $0x3  }
0x34: {  	[smem:$0x3FAF] =	sst s10  }
0x35: {  	s10 =	sld [smem:$0x3FAE];
	_ =	sdelay $0x3  }
0x36: {  	p1 =	seq.s32 s10, $0x1;
	s10 =	sld [smem:$0x3FAF];
	_ =	sdelay $0x3  }
0x37: {  	[smem:$0x3FAF] =	sst s10  }
0x38: {  	s10 =	sld [smem:$0x3FB0]  }
0x39: {  	_ = 	snop;
	(pc) =	sbr.ind lr, $3  }
0x3a: {  	_ = 	snop  }
0x3b: {  	_ = 	snop  }
0x3c: {  	p2 =	seq.s32 s10, $0x1;
	s10 =	sld [smem:$0x3FAF]  }
0x3d: {  	_ =	shalt  }
0x3e: {  	_ =	shalt  }
0x3f: {  	_ =	shalt  }
0x40: {  	_ =	shalt  }
0x41: {  	_ =	shalt  }
0x42: {  	_ =	shalt  }
0x43: {  	_ =	shalt  }
0x44: {  	_ =	shalt  }
0x45: {  	_ =	shalt  }
0x46: {  	_ =	shalt  }
0x47: {  	_ =	shalt  }
0x48: {  	_ =	shalt  }
0x49: {  	_ =	shalt  }
0x4a: {  	_ =	shalt  }
0x4b: {  	_ =	shalt  }
0x4c: {  	_ =	shalt  }
0x4d: {  	_ =	shalt  }
0x4e: {  	_ =	shalt  }
0x4f: {  	_ =	shalt  }
0x50: {  	_ =	shalt  }
0x51: {  	_ =	shalt  }
0x52: {  	_ =	shalt  }
0x53: {  	_ =	shalt  }
0x54: {  	_ =	shalt  }
0x55: {  	_ =	shalt  }
0x56: {  	_ =	shalt  }
0x57: {  	_ =	shalt  }
0x58: {  	_ =	shalt  }
0x59: {  	_ =	shalt  }
0x5a: {  	_ =	shalt  }
0x5b: {  	_ =	shalt  }
0x5c: {  	_ =	shalt  }
0x5d: {  	_ =	shalt  }
0x5e: {  	_ =	shalt  }
0x5f: {  	_ =	shalt  }
0x60: {  	_ =	shalt  }
0x61: {  	_ =	shalt  }
0x62: {  	_ =	shalt  }
0x63: {  	_ =	shalt  }
0x64: {  	_ =	shalt  }
0x65: {  	_ =	shalt  }
0x66: {  	_ =	shalt  }
0x67: {  	_ =	shalt  }
0x68: {  	_ =	shalt  }
0x69: {  	_ =	shalt  }
0x6a: {  	_ =	shalt  }
0x6b: {  	_ =	shalt  }
0x6c: {  	_ =	shalt  }
0x6d: {  	_ =	shalt  }
0x6e: {  	_ =	shalt  }
0x6f: {  	_ =	shalt  }
0x70: {  	_ =	shalt  }
0x71: {  	_ =	shalt  }
0x72: {  	_ =	shalt  }
0x73: {  	_ =	shalt  }
0x74: {  	_ =	shalt  }
0x75: {  	_ =	shalt  }
0x76: {  	_ =	shalt  }
0x77: {  	_ =	shalt  }
0x78: {  	_ =	shalt  }
0x79: {  	_ =	shalt  }
0x7a: {  	_ =	shalt  }
0x7b: {  	_ =	shalt  }
0x7c: {  	_ =	shalt  }
0x7d: {  	_ =	shalt  }
0x7e: {  	_ =	shalt  }
0x7f: {  	_ =	shalt  }
0x80: {  	_ =	shalt  }
0x81: {  	_ =	shalt  }
0x82: {  	_ =	shalt  }
0x83: {  	_ =	shalt  }
0x84: {  	_ =	shalt  }
0x85: {  	_ =	shalt  }
0x86: {  	_ =	shalt  }
0x87: {  	_ =	shalt  }
.Lfunc_end0:
.L_simem_size_0:
called_computation_lowered:
.L_overlay_start_0:
0x88: {  	s2 =	sld [smem:$0x3FD9]  }
0x89: {  	s3 =	sld [smem:$0x3FFE];
	_ =	sdelay $0x1  }
0x8a: {  	s1 =	srdreg.scid  }
0x8b: {  	s0 =	sand.u32 $0x1, s1  }
0x8c: {  	s16 =	sshll.u32 s0, $0xA;
	s2 =	sadd.s32 s3, s2  }
0x8d: {  	s2 =	sadd.s32 s2, s16  }
0x8e: {  	[smem:$0x3FBB] =	sst s2  }
0x8f: {  	_ = 	snop  }
0x90: {  	(tm) =	ssettm $0x1  }
0x91: {  	s17 =	sld [smem:$0x3FFB];
	_ =	sdelay $0x3  }
0x92: {  	_ =	strace s17  }
0x93: {  	s2 =	sld [smem:$0x3FFC];
	_ =	sdelay $0x3  }
0x94: {  	_ =	strace s2  }
0x95: {  	s2 =	sld [smem:$0x3FFD];
	_ =	sdelay $0x3  }
0x96: {  	_ =	strace s2  }
0x97: {  	_ =	strace $0x8FFFFFFF  }
0x98: {  	s18 =	sld [smem:$0x3FDB];
	_ =	sdelay $0x1  }
0x99: {  	s19 =	simm.s32 $_scs_section_size  }
0x9a: {  	s4 =	simm.s32 $_size__tile_overlayer_lowered;
	s5 =	simm.s32 $_tile_overlayer_lowered  }
0x9b: {  	s22 =	simm.s32 $0x1BFF;
	s21 =	sshll.u32 s5, $0x1;
	s2 =	sadd.s32 s19, s18  }
0x9c: {  	s6 =	simm.s32 $0x0;
	s20 =	sshll.u32 s4, $0x1;
	s4 =	sadd.s32 s21, s2  }
0x9d: {  	[timem:s6], [sflag:s22] =	dma.local [hbm:s4], s20  }
0x9e: {  	_ =	swait.ge [sflag:s22], s20  }
0x9f: {  	s3 =	ssub.s32 $0x0, s20;
	[sflag:s22] =	ssyncset.done $0x0  }
0xa0: {  	[sflag:s22] =	ssyncadd.s32 s3;
	_ =	sdelay $0x1  }
0xa1: {  	s23 =	simm.s32 $0x1B8B  }
0xa2: {  	_ =	swait.ge [sflag:s23], $0x1  }
0xa3: {  	[sflag:s23] =	ssyncset.done $0x0  }
0xa4: {  	s25 =	simm.s32 $0x1B8E;
	s24 =	sld [smem:$0x3FFE];
	[sflag:s23] =	ssyncadd.s32 $0xFFFFFFFF  }
0xa5: {  	s26 =	simm.s32 $execute0_lowered;
	[smem:$0x3FD2] =	sst s25  }
0xa6: {  	s4 =	sshll.u32 s26, $0x1;
	_ =	strace $0x80000046;
	[dreg:$0x1] =	wrdreg $0xFFFFFFFF  }
0xa7: {  	s28 =	simm.s32 $_size_execute0_lowered;
	s2 =	sadd.s32 s2, s4;
	[dreg:$0x0] =	wrdreg $0x0  }
0xa8: {  	s4 =	sshll.u32 s28, $0x1;
	[dreg:$0x2] =	wrdreg s2  }
0xa9: {  	[dreg:$0x3] =	wrdreg s4  }
0xaa: {  	[dreg:$0x4] =	wrdreg $0xC0  }
0xab: {  	_ =	task [dreg:s6], $0x5FFFF  }
0xac: {  	[dreg:$0x1] =	wrdreg $0xFFFFFFFF  }
0xad: {  	[dreg:$0x0] =	wrdreg $0x60  }
0xae: {  	[dreg:$0x2] =	wrdreg s24  }
0xaf: {  	[dreg:$0x3] =	wrdreg $0x9  }
0xb0: {  	_ =	task.clear_ibuf [dreg:s6], $0x4FFFF;
	_ =	strace $0x90000046  }
0xb1: {  	s29 =	simm.s32 $0x9;
	_ =	strace $0x80000048  }
0xb2: {  	_ =	swait.ge [sflag:s29], $0x1  }
0xb3: {  	[sflag:s29] =	ssyncadd.s32 $0xFFFFFFFF  }
0xb4: {  	_ =	strace $0x90000048  }
0xb5: {  	_ =	sfence  }
0xb6: {  	s30 =	sld [smem:$0x0];
	_ =	sdelay $0x2  }
0xb7: {  	s31 =	sshll.u32 s1, $0xD;
	s1 =	sshrl.u32 s1, $0x2  }
0xb8: {  	s3 =	sand.u32 $0x4000, s31;
	s1 =	sadd.s32 s1, s30  }
0xb9: {  	s0 =	sor.u32 s3, s0;
	s1 =	sshll.u32 s1, $0x11  }
0xba: {  	s0 =	sor.u32 s1, s0  }
0xbb: {  	s0 =	sadd.s32 $0x8F2B, s0  }
0xbc: {  	[sflag:s0] =	ssyncadd.remote.s32 $0x1  }
0xbd: {  	_ =	sfence.sel $0xFFFF  }
0xbe: {  	[dreg:$0x0] =	wrdreg $0xFFFFFFFF;
	(pc) =	sbr.abs _section_cstart, $3  }
0xbf: {  	[dreg:$0x1] =	wrdreg $0xFFFFFFFF  }
0xc0: {  	_ =	task.clear_ibuf [dreg:s6], $0x2FFFF;
	_ =	strace $0x9FFFFFFF  }
0xc1: {  	(tm) =	ssettm $0x7FFFFFFF  }
tec
execute0_lowered:
.L_overlay_start_1:
0x0: {  	(tag) =	ssettag $0x1  }
0x1: {  	s10 =	rddreg [dreg:$0x0]  }
0x2: {  	s1 =	simm.s32 $0x0;
	s6 =	srdreg.scid;
	s14 =	simm.s32 $0xCE40  }
0x3: {  	s15 =	simm.s32 $0x640;
	s16 =	simm.s32 $0xD00;
	s17 =	simm.s32 $0xD180  }
0x4: {  	s18 =	simm.s32 $0xDE80;
	s19 =	simm.s32 $0x340;
	s20 =	simm.s32 $0xEB80  }
0x5: {  	s21 =	simm.s32 $0xEEC0;
	s22 =	simm.s32 $0xF2C0;
	s23 =	simm.s32 $0x102C0  }
0x6: {  	s24 =	simm.s32 $0x0;
	[smem:$0x7FF] =	sst s1;
	s2 =	sadd.s32 $0x2800, s10  }
0x7: {  	s3 =	sadd.s32 $0xAD000, s10;
	s4 =	sadd.s32 $0xA0000, s10;
	s5 =	sadd.s32 $0x27AEC00, s10  }
0x8: {  	s11 =	sand.u32 $0x1, s6;
	s7 =	sadd.s32 $0x50A00, s10;
	s8 =	sadd.s32 $0xC6000, s10  }
0x9: {  	s9 =	sadd.s32 $0xE6000, s10;
	s6 =	stileid.u32;
	s12 =	ssub.s32 $0x2, s11  }
0xa: {  	s10 =	sadd.s32 $0xD6000, s10;
	_ =	strace $0x80000047;
	s13 =	sshrl.u32 s12, $0x1  }
0xb: {  	v0 =	vlaneseq.u32;
	s11 =	sshll.u32 s11, $0xD;
	s31 =	sshll.u32 s6, $0x9;
	s12 =	ssub.s32 s12, s13  }
0xc: {  	v1 =	vand.u32 $0x3, v0;
	s11 =	sor.u32 s31, s11;
	s13 =	simm.s32 $0x1;
	s12 =	smax.u32 s12, $0x1  }
.LBB2_1:
0xd: {  	s25 =	simm.s32 $0x0  }
.LBB2_2:
0xe: {  	s26 =	sshll.u32 s25, $0x5  }
0xf: {  	s26 =	sadd.s32 s11, s26  }
0x10: {  	s28 =	smul.u32 $0x32, s26;
	_ =	sdelay $0x1  }
0x11: {  	s28 =	sshrl.u32 s28, $0x3  }
0x12: {  	s29 =	simm.s32 $0x0;
	s28 =	sadd.s32 s3, s28  }
0x13: {  	[tilespmem:s29], [sflag:$0x1] =	stream.linear.gather [hbm4b:s28+s29], $0x640, $0x38;
	[tilespmem:$0x106C0] =	vst v63  }
0x14: {  	s28 =	smul.u32 $0x1A, s26  }
0x15: {  	_ =	swait.ge [sflag:s13], $0x640  }
0x16: {  	v2 =	vor.u32 s29, v0;
	[sflag:s13] =	ssyncset.done $0x0;
	s28 =	sshrl.u32 s28, $0x3  }
0x17: {  	v2 =	vshrl.u32 v2, $0x2;
	[sflag:s13] =	ssyncadd.s32 $0xFFFFF9C0;
	s28 =	sadd.s32 s4, s28  }
0x18: {  	[tilespmem:s14], [sflag:$0x1] =	stream.linear.gather [hbm4b:s28+s29], $0x340, $0x38;
	[tilespmem:$0x106C0] =	vst v63  }
0x19: {  	_ =	swait.ge [sflag:s13], $0x340  }
0x1a: {  	[sflag:s13] =	ssyncset.done $0x0  }
0x1b: {  	[sflag:s13] =	ssyncadd.s32 $0xFFFFFCC0  }
0x1c: {  	v2 =	vld.idx.msk [tilespmem:v2+s14+$0x0], $0xffff  }
0x1d: {  	s28 =	simm.s32 $0x10  }
0x1e: {  	v3 =	vor.u32 s28, v0  }
0x1f: {  	v3 =	vshrl.u32 v3, $0x2;
	_ =	sdelay $0x1  }
0x20: {  	v2 =	vshll.u32 v2, $0x2  }
0x21: {  	s28 =	simm.s32 $0xD180;
	v2 =	vor.u32 v1, v2  }
0x22: {  	[tilespmem:s28+$0x0] =	vst v2  }
0x23: {  	v2 =	vld.idx.msk [tilespmem:v3+s14+$0x0], $0xffff  }
0x24: {  	s29 =	simm.s32 $0x20  }
0x25: {  	v3 =	vor.u32 s29, v0;
	s29 =	simm.s32 $0x30  }
.LBB2_3:
0x26: {  	p0 =	sne.s32 s29, $0xCF0;
	v3 =	vshrl.u32 v3, $0x2;
	_ =	sdelay $0x1  }
0x27: {  	v2 =	vshll.u32 v2, $0x2  }
0x28: {  	s28 =	sadd.s32 $0x10, s28;
	v2 =	vor.u32 v1, v2  }
.Ltmp0:
0x29: {  	[tilespmem:s28+$0x0] =	vst v2;
	(pc) =	sbr.rel @p0 .LBB2_3-.Ltmp0, $2  }
0x2a: {  	v2 =	vld.idx.msk [tilespmem:v3+s14+$0x0], $0xffff;
	_ =	sdelay $0x2  }
0x2b: {  	v3 =	vor.u32 s29, v0;
	s29 =	sadd.s32 $0x10, s29  }
0x2c: {  	v3 =	vshrl.u32 v3, $0x2;
	_ =	sdelay $0x1  }
0x2d: {  	v2 =	vshll.u32 v2, $0x2  }
0x2e: {  	s28 =	sadd.s32 $0x10, s28;
	v2 =	vor.u32 v1, v2  }
0x2f: {  	[tilespmem:s28+$0x0] =	vst v2  }
0x30: {  	v2 =	vld.idx.msk [tilespmem:v3+s14+$0x0], $0xffff;
	_ =	sdelay $0x4  }
0x31: {  	v2 =	vshll.u32 v2, $0x2  }
0x32: {  	s28 =	sadd.s32 $0x10, s28;
	v2 =	vor.u32 v1, v2  }
0x33: {  	[tilespmem:s28+$0x0] =	vst v2;
	s28 =	simm.s32 $0x0  }
0x34: {  	[tilespmem:s15], [sflag:$0x1] =	stream.indirect.gather [hbm4b:s2+s15], $0x20, s28, s15, $0xb8;
	[tilespmem:$0x106C0] =	vst v63  }
0x35: {  	_ =	swait.ge [sflag:s13], $0xC800  }
0x36: {  	[sflag:s13] =	ssyncset.done $0x0  }
0x37: {  	[sflag:s13] =	ssyncadd.s32 $0xFFFF3800  }
0x38: {  	[tilespmem:s18], [sflag:$0x1] =	stream.indirect.gather [hbm4b:s5+s16], $0x1, s17, s16, $0xb8;
	[tilespmem:$0x106C0] =	vst v63  }
0x39: {  	_ =	swait.ge [sflag:s13], $0xD00  }
0x3a: {  	[sflag:s13] =	ssyncset.done $0x0  }
0x3b: {  	[sflag:s13] =	ssyncadd.s32 $0xFFFFF300  }
0x3c: {  	[tilespmem:s20], [sflag:$0x1] =	stream.indirect.gather [hbm4b:s7+s19], $0x1, s14, s19, $0xb8;
	[tilespmem:$0x106C0] =	vst v63  }
0x3d: {  	_ =	swait.ge [sflag:s13], $0x340  }
0x3e: {  	[sflag:s13] =	ssyncset.done $0x0  }
0x3f: {  	s29 =	simm.s32 $0x960;
	[sflag:s13] =	ssyncadd.s32 $0xFFFFFCC0  }
0x40: {  	v2 =	vld [tilespmem:s29+$0xFFFFFCE0]  }
0x41: {  	v3 =	vld [tilespmem:s29+$0xFFFFFCF0]  }
0x42: {  	v4 =	vld [tilespmem:s29+$0xFFFFFD00]  }
0x43: {  	v5 =	vld [tilespmem:s29+$0xFFFFFD10]  }
0x44: {  	v6 =	vld [tilespmem:s29+$0xFFFFFD20]  }
0x45: {  	v7 =	vld [tilespmem:s29+$0xFFFFFD30];
	v2 =	vadd.f32 $0.0e+00, v2  }
0x46: {  	v8 =	vld [tilespmem:s29+$0xFFFFFD40]  }
0x47: {  	v23 =	vld [tilespmem:s29+$0xFFFFFD50];
	v3 =	vadd.f32 $0.0e+00, v3;
	v2 =	vadd.f32 v4, v2  }
0x48: {  	v9 =	vld [tilespmem:s29+$0xFFFFFD60]  }
0x49: {  	v24 =	vld [tilespmem:s29+$0xFFFFFD70];
	v3 =	vadd.f32 v5, v3;
	v2 =	vadd.f32 v6, v2  }
0x4a: {  	v25 =	vld [tilespmem:s29+$0xFFFFFD80]  }
0x4b: {  	v26 =	vld [tilespmem:s29+$0xFFFFFD90];
	v3 =	vadd.f32 v7, v3;
	v2 =	vadd.f32 v8, v2  }
0x4c: {  	v27 =	vld [tilespmem:s29+$0xFFFFFDA0]  }
0x4d: {  	v28 =	vld [tilespmem:s29+$0xFFFFFDB0];
	v3 =	vadd.f32 v23, v3;
	v2 =	vadd.f32 v9, v2  }
0x4e: {  	v29 =	vld [tilespmem:s29+$0xFFFFFDC0]  }
0x4f: {  	v30 =	vld [tilespmem:s29+$0xFFFFFDD0];
	v3 =	vadd.f32 v24, v3;
	v2 =	vadd.f32 v25, v2  }
0x50: {  	v31 =	vld [tilespmem:s29+$0xFFFFFDE0]  }
0x51: {  	v32 =	vld [tilespmem:s29+$0xFFFFFDF0];
	v3 =	vadd.f32 v26, v3;
	v2 =	vadd.f32 v27, v2  }
0x52: {  	v33 =	vld [tilespmem:s29+$0xFFFFFE00]  }
0x53: {  	v34 =	vld [tilespmem:s29+$0xFFFFFE10];
	v3 =	vadd.f32 v28, v3;
	v2 =	vadd.f32 v29, v2  }
0x54: {  	v35 =	vld [tilespmem:s29+$0xFFFFFE20]  }
0x55: {  	v36 =	vld [tilespmem:s29+$0xFFFFFE30];
	v3 =	vadd.f32 v30, v3;
	v2 =	vadd.f32 v31, v2  }
0x56: {  	v37 =	vld [tilespmem:s29+$0xFFFFFE40]  }
0x57: {  	v38 =	vld [tilespmem:s29+$0xFFFFFE50];
	v3 =	vadd.f32 v32, v3;
	v2 =	vadd.f32 v33, v2  }
0x58: {  	v39 =	vld [tilespmem:s29+$0xFFFFFE60]  }
0x59: {  	v40 =	vld [tilespmem:s29+$0xFFFFFE70];
	v3 =	vadd.f32 v34, v3;
	v2 =	vadd.f32 v35, v2  }
0x5a: {  	v41 =	vld [tilespmem:s29+$0xFFFFFE80]  }
0x5b: {  	v42 =	vld [tilespmem:s29+$0xFFFFFE90];
	v3 =	vadd.f32 v36, v3;
	v2 =	vadd.f32 v37, v2  }
0x5c: {  	v43 =	vld [tilespmem:s29+$0xFFFFFEA0]  }
0x5d: {  	v44 =	vld [tilespmem:s29+$0xFFFFFEB0];
	v3 =	vadd.f32 v38, v3;
	v2 =	vadd.f32 v39, v2  }
0x5e: {  	v45 =	vld [tilespmem:s29+$0xFFFFFEC0]  }
0x5f: {  	v46 =	vld [tilespmem:s29+$0xFFFFFED0];
	v3 =	vadd.f32 v40, v3;
	v2 =	vadd.f32 v41, v2  }
0x60: {  	v47 =	vld [tilespmem:s29+$0xFFFFFEE0]  }
0x61: {  	v48 =	vld [tilespmem:s29+$0xFFFFFEF0];
	v3 =	vadd.f32 v42, v3;
	v2 =	vadd.f32 v43, v2  }
0x62: {  	v49 =	vld [tilespmem:s29+$0xFFFFFF00]  }
0x63: {  	v50 =	vld [tilespmem:s29+$0xFFFFFF10];
	v3 =	vadd.f32 v44, v3;
	v2 =	vadd.f32 v45, v2  }
0x64: {  	v51 =	vld [tilespmem:s29+$0xFFFFFF20]  }
0x65: {  	v52 =	vld [tilespmem:s29+$0xFFFFFF30];
	v3 =	vadd.f32 v46, v3;
	v2 =	vadd.f32 v47, v2  }
0x66: {  	v53 =	vld [tilespmem:s29+$0xFFFFFF40]  }
0x67: {  	v54 =	vld [tilespmem:s29+$0xFFFFFF50];
	v3 =	vadd.f32 v48, v3;
	v2 =	vadd.f32 v49, v2  }
0x68: {  	v55 =	vld [tilespmem:s29+$0xFFFFFF60]  }
0x69: {  	v56 =	vld [tilespmem:s29+$0xFFFFFF70];
	v3 =	vadd.f32 v50, v3;
	v2 =	vadd.f32 v51, v2  }
0x6a: {  	v57 =	vld [tilespmem:s29+$0xFFFFFF80]  }
0x6b: {  	v58 =	vld [tilespmem:s29+$0xFFFFFF90];
	v3 =	vadd.f32 v52, v3;
	v2 =	vadd.f32 v53, v2  }
0x6c: {  	v59 =	vld [tilespmem:s29+$0xFFFFFFA0]  }
0x6d: {  	v60 =	vld [tilespmem:s29+$0xFFFFFFB0];
	v3 =	vadd.f32 v54, v3;
	v2 =	vadd.f32 v55, v2  }
0x6e: {  	v61 =	vld [tilespmem:s29+$0xFFFFFFC0]  }
0x6f: {  	v62 =	vld [tilespmem:s29+$0xFFFFFFD0];
	v3 =	vadd.f32 v56, v3;
	v2 =	vadd.f32 v57, v2  }
0x70: {  	v63 =	vld [tilespmem:s29+$0xFFFFFFE0]  }
0x71: {  	v12 =	vld [tilespmem:s29+$0xFFFFFFF0];
	v3 =	vadd.f32 v58, v3;
	v2 =	vadd.f32 v59, v2  }
0x72: {  	v13 =	vld [tilespmem:s29+$0x0]  }
0x73: {  	v14 =	vld [tilespmem:s29+$0x10];
	v3 =	vadd.f32 v60, v3;
	v2 =	vadd.f32 v61, v2  }
0x74: {  	v15 =	vld [tilespmem:s29+$0x20]  }
0x75: {  	v16 =	vld [tilespmem:s29+$0x30];
	v3 =	vadd.f32 v62, v3;
	v2 =	vadd.f32 v63, v2  }
0x76: {  	v17 =	vld [tilespmem:s29+$0x40]  }
0x77: {  	v18 =	vld [tilespmem:s29+$0x50];
	v3 =	vadd.f32 v12, v3;
	v2 =	vadd.f32 v13, v2  }
0x78: {  	v19 =	vld [tilespmem:s29+$0x60]  }
0x79: {  	v20 =	vld [tilespmem:s29+$0x70];
	v3 =	vadd.f32 v14, v3;
	v2 =	vadd.f32 v15, v2  }
0x7a: {  	v21 =	vld [tilespmem:s29+$0x80]  }
0x7b: {  	v22 =	vld [tilespmem:s29+$0x90];
	v3 =	vadd.f32 v16, v3;
	v2 =	vadd.f32 v17, v2  }
0x7c: {  	v23 =	vld [tilespmem:s29+$0xA0]  }
0x7d: {  	v24 =	vld [tilespmem:s29+$0xB0];
	v3 =	vadd.f32 v18, v3;
	v2 =	vadd.f32 v19, v2  }
0x7e: {  	v25 =	vld [tilespmem:s29+$0xC0]  }
0x7f: {  	v26 =	vld [tilespmem:s29+$0xD0];
	v3 =	vadd.f32 v20, v3;
	v2 =	vadd.f32 v21, v2  }
0x80: {  	v27 =	vld [tilespmem:s29+$0xE0]  }
0x81: {  	v28 =	vld [tilespmem:s29+$0xF0];
	v3 =	vadd.f32 v22, v3;
	v2 =	vadd.f32 v23, v2  }
0x82: {  	v29 =	vld [tilespmem:s29+$0x100]  }
0x83: {  	v30 =	vld [tilespmem:s29+$0x110];
	v3 =	vadd.f32 v24, v3;
	v2 =	vadd.f32 v25, v2  }
0x84: {  	v31 =	vld [tilespmem:s29+$0x120]  }
0x85: {  	v32 =	vld [tilespmem:s29+$0x130];
	v3 =	vadd.f32 v26, v3;
	v2 =	vadd.f32 v27, v2  }
0x86: {  	v33 =	vld [tilespmem:s29+$0x140]  }
0x87: {  	v34 =	vld [tilespmem:s29+$0x150];
	v3 =	vadd.f32 v28, v3;
	v2 =	vadd.f32 v29, v2  }
0x88: {  	v35 =	vld [tilespmem:s29+$0x160]  }
0x89: {  	v36 =	vld [tilespmem:s29+$0x170];
	v3 =	vadd.f32 v30, v3;
	v2 =	vadd.f32 v31, v2  }
0x8a: {  	v37 =	vld [tilespmem:s29+$0x180]  }
0x8b: {  	v38 =	vld [tilespmem:s29+$0x190];
	v3 =	vadd.f32 v32, v3;
	v2 =	vadd.f32 v33, v2  }
0x8c: {  	v39 =	vld [tilespmem:s29+$0x1A0]  }
0x8d: {  	v40 =	vld [tilespmem:s29+$0x1B0];
	v3 =	vadd.f32 v34, v3;
	v2 =	vadd.f32 v35, v2  }
0x8e: {  	v41 =	vld [tilespmem:s29+$0x1C0]  }
0x8f: {  	v42 =	vld [tilespmem:s29+$0x1D0];
	v3 =	vadd.f32 v36, v3;
	v2 =	vadd.f32 v37, v2  }
0x90: {  	v43 =	vld [tilespmem:s29+$0x1E0]  }
0x91: {  	v44 =	vld [tilespmem:s29+$0x1F0];
	v3 =	vadd.f32 v38, v3;
	v2 =	vadd.f32 v39, v2  }
0x92: {  	v45 =	vld [tilespmem:s29+$0x200]  }
0x93: {  	v46 =	vld [tilespmem:s29+$0x210];
	v3 =	vadd.f32 v40, v3;
	v2 =	vadd.f32 v41, v2  }
0x94: {  	v47 =	vld [tilespmem:s29+$0x220]  }
0x95: {  	v48 =	vld [tilespmem:s29+$0x230];
	v3 =	vadd.f32 v42, v3;
	v2 =	vadd.f32 v43, v2  }
0x96: {  	v49 =	vld [tilespmem:s29+$0x240]  }
0x97: {  	v50 =	vld [tilespmem:s29+$0x250];
	v3 =	vadd.f32 v44, v3;
	v2 =	vadd.f32 v45, v2  }
0x98: {  	v51 =	vld [tilespmem:s29+$0x260]  }
0x99: {  	v52 =	vld [tilespmem:s29+$0x270];
	v3 =	vadd.f32 v46, v3;
	v2 =	vadd.f32 v47, v2  }
0x9a: {  	v53 =	vld [tilespmem:s29+$0x280]  }
0x9b: {  	v54 =	vld [tilespmem:s29+$0x290];
	v3 =	vadd.f32 v48, v3;
	v2 =	vadd.f32 v49, v2  }
0x9c: {  	v55 =	vld [tilespmem:s29+$0x2A0]  }
0x9d: {  	v56 =	vld [tilespmem:s29+$0x2B0];
	v3 =	vadd.f32 v50, v3;
	v2 =	vadd.f32 v51, v2  }
0x9e: {  	v57 =	vld [tilespmem:s29+$0x2C0]  }
0x9f: {  	v58 =	vld [tilespmem:s29+$0x2D0];
	v3 =	vadd.f32 v52, v3;
	v2 =	vadd.f32 v53, v2  }
0xa0: {  	v59 =	vld [tilespmem:s29+$0x2E0]  }
0xa1: {  	v60 =	vld [tilespmem:s29+$0x2F0];
	v3 =	vadd.f32 v54, v3;
	v2 =	vadd.f32 v55, v2  }
0xa2: {  	v61 =	vld [tilespmem:s29+$0x300]  }
0xa3: {  	v3 =	vadd.f32 v56, v3;
	v2 =	vadd.f32 v57, v2  }
0xa4: {  	v62 =	vld [tilespmem:s29+$0x310]  }
0xa5: {  	v3 =	vadd.f32 v58, v3;
	v2 =	vadd.f32 v59, v2;
	_ =	sdelay $0x1  }
0xa6: {  	v3 =	vadd.f32 v60, v3;
	v63 =	vadd.f32 v61, v2  }
0xa7: {  	s31 =	simm.s32 $0x0  }
0xa8: {  	s30 =	simm.s32 $0x80;
	v2 =	vadd.f32 v62, v3;
	[tilespmem:s31+$0xEEC0] =	vst v63  }
.LBB2_5:
0xa9: {  	p0 =	sne.s32 s30, $0xF80  }
0xaa: {  	[tilespmem:s31+$0xEED0] =	vst v2;
	s29 =	sadd.s32 $0x640, s29;
	s31 =	smov.u32 s30;
	s30 =	sadd.s32 $0x80, s30  }
0xab: {  	v2 =	vld [tilespmem:s29+$0xFFFFFCE0]  }
0xac: {  	v3 =	vld [tilespmem:s29+$0xFFFFFCF0]  }
0xad: {  	v4 =	vld [tilespmem:s29+$0xFFFFFD00]  }
0xae: {  	v5 =	vld [tilespmem:s29+$0xFFFFFD10]  }
0xaf: {  	v6 =	vld [tilespmem:s29+$0xFFFFFD20]  }
0xb0: {  	v2 =	vadd.f32 $0.0e+00, v2;
	v7 =	vld [tilespmem:s29+$0xFFFFFD30]  }
0xb1: {  	v3 =	vadd.f32 $0.0e+00, v3;
	v8 =	vld [tilespmem:s29+$0xFFFFFD40]  }
0xb2: {  	v2 =	vadd.f32 v4, v2;
	v4 =	vld [tilespmem:s29+$0xFFFFFD50]  }
0xb3: {  	v3 =	vadd.f32 v5, v3;
	v5 =	vld [tilespmem:s29+$0xFFFFFD60]  }
0xb4: {  	v2 =	vadd.f32 v6, v2;
	v6 =	vld [tilespmem:s29+$0xFFFFFD70]  }
0xb5: {  	v3 =	vadd.f32 v7, v3;
	v7 =	vld [tilespmem:s29+$0xFFFFFD80]  }
0xb6: {  	v2 =	vadd.f32 v8, v2;
	v8 =	vld [tilespmem:s29+$0xFFFFFD90]  }
0xb7: {  	v3 =	vadd.f32 v4, v3;
	v4 =	vld [tilespmem:s29+$0xFFFFFDA0]  }
0xb8: {  	v2 =	vadd.f32 v5, v2;
	v5 =	vld [tilespmem:s29+$0xFFFFFDB0]  }
0xb9: {  	v3 =	vadd.f32 v6, v3;
	v6 =	vld [tilespmem:s29+$0xFFFFFDC0]  }
0xba: {  	v2 =	vadd.f32 v7, v2;
	v7 =	vld [tilespmem:s29+$0xFFFFFDD0]  }
0xbb: {  	v3 =	vadd.f32 v8, v3;
	v8 =	vld [tilespmem:s29+$0xFFFFFDE0]  }
0xbc: {  	v2 =	vadd.f32 v4, v2;
	v4 =	vld [tilespmem:s29+$0xFFFFFDF0]  }
0xbd: {  	v3 =	vadd.f32 v5, v3;
	v5 =	vld [tilespmem:s29+$0xFFFFFE00]  }
0xbe: {  	v2 =	vadd.f32 v6, v2;
	v6 =	vld [tilespmem:s29+$0xFFFFFE10]  }
0xbf: {  	v3 =	vadd.f32 v7, v3;
	v7 =	vld [tilespmem:s29+$0xFFFFFE20]  }
0xc0: {  	v2 =	vadd.f32 v8, v2;
	v8 =	vld [tilespmem:s29+$0xFFFFFE30]  }
0xc1: {  	v3 =	vadd.f32 v4, v3;
	v4 =	vld [tilespmem:s29+$0xFFFFFE40]  }
0xc2: {  	v2 =	vadd.f32 v5, v2;
	v5 =	vld [tilespmem:s29+$0xFFFFFE50]  }
0xc3: {  	v3 =	vadd.f32 v6, v3;
	v6 =	vld [tilespmem:s29+$0xFFFFFE60]  }
0xc4: {  	v2 =	vadd.f32 v7, v2;
	v7 =	vld [tilespmem:s29+$0xFFFFFE70]  }
0xc5: {  	v3 =	vadd.f32 v8, v3;
	v8 =	vld [tilespmem:s29+$0xFFFFFE80]  }
0xc6: {  	v2 =	vadd.f32 v4, v2;
	v4 =	vld [tilespmem:s29+$0xFFFFFE90]  }
0xc7: {  	v3 =	vadd.f32 v5, v3;
	v5 =	vld [tilespmem:s29+$0xFFFFFEA0]  }
0xc8: {  	v2 =	vadd.f32 v6, v2;
	v6 =	vld [tilespmem:s29+$0xFFFFFEB0]  }
0xc9: {  	v3 =	vadd.f32 v7, v3;
	v7 =	vld [tilespmem:s29+$0xFFFFFEC0]  }
0xca: {  	v2 =	vadd.f32 v8, v2;
	v8 =	vld [tilespmem:s29+$0xFFFFFED0]  }
0xcb: {  	v3 =	vadd.f32 v4, v3;
	v4 =	vld [tilespmem:s29+$0xFFFFFEE0]  }
0xcc: {  	v2 =	vadd.f32 v5, v2;
	v5 =	vld [tilespmem:s29+$0xFFFFFEF0]  }
0xcd: {  	v3 =	vadd.f32 v6, v3;
	v6 =	vld [tilespmem:s29+$0xFFFFFF00]  }
0xce: {  	v2 =	vadd.f32 v7, v2;
	v7 =	vld [tilespmem:s29+$0xFFFFFF10]  }
0xcf: {  	v3 =	vadd.f32 v8, v3;
	v8 =	vld [tilespmem:s29+$0xFFFFFF20]  }
0xd0: {  	v2 =	vadd.f32 v4, v2;
	v4 =	vld [tilespmem:s29+$0xFFFFFF30]  }
0xd1: {  	v3 =	vadd.f32 v5, v3;
	v5 =	vld [tilespmem:s29+$0xFFFFFF40]  }
0xd2: {  	v2 =	vadd.f32 v6, v2;
	v6 =	vld [tilespmem:s29+$0xFFFFFF50]  }
0xd3: {  	v3 =	vadd.f32 v7, v3;
	v7 =	vld [tilespmem:s29+$0xFFFFFF60]  }
0xd4: {  	v2 =	vadd.f32 v8, v2;
	v8 =	vld [tilespmem:s29+$0xFFFFFF70]  }
0xd5: {  	v3 =	vadd.f32 v4, v3;
	v4 =	vld [tilespmem:s29+$0xFFFFFF80]  }
0xd6: {  	v2 =	vadd.f32 v5, v2;
	v5 =	vld [tilespmem:s29+$0xFFFFFF90]  }
0xd7: {  	v3 =	vadd.f32 v6, v3;
	v6 =	vld [tilespmem:s29+$0xFFFFFFA0]  }
0xd8: {  	v2 =	vadd.f32 v7, v2;
	v7 =	vld [tilespmem:s29+$0xFFFFFFB0]  }
0xd9: {  	v3 =	vadd.f32 v8, v3;
	v8 =	vld [tilespmem:s29+$0xFFFFFFC0]  }
0xda: {  	v2 =	vadd.f32 v4, v2;
	v4 =	vld [tilespmem:s29+$0xFFFFFFD0]  }
0xdb: {  	v3 =	vadd.f32 v5, v3;
	v5 =	vld [tilespmem:s29+$0xFFFFFFE0]  }
0xdc: {  	v2 =	vadd.f32 v6, v2;
	v6 =	vld [tilespmem:s29+$0xFFFFFFF0]  }
0xdd: {  	v3 =	vadd.f32 v7, v3;
	v7 =	vld [tilespmem:s29+$0x0]  }
0xde: {  	v2 =	vadd.f32 v8, v2;
	v8 =	vld [tilespmem:s29+$0x10]  }
0xdf: {  	v3 =	vadd.f32 v4, v3;
	v4 =	vld [tilespmem:s29+$0x20]  }
0xe0: {  	v2 =	vadd.f32 v5, v2;
	v5 =	vld [tilespmem:s29+$0x30]  }
0xe1: {  	v3 =	vadd.f32 v6, v3;
	v6 =	vld [tilespmem:s29+$0x40]  }
0xe2: {  	v2 =	vadd.f32 v7, v2;
	v7 =	vld [tilespmem:s29+$0x50]  }
0xe3: {  	v3 =	vadd.f32 v8, v3;
	v8 =	vld [tilespmem:s29+$0x60]  }
0xe4: {  	v2 =	vadd.f32 v4, v2;
	v4 =	vld [tilespmem:s29+$0x70]  }
0xe5: {  	v3 =	vadd.f32 v5, v3;
	v5 =	vld [tilespmem:s29+$0x80]  }
0xe6: {  	v2 =	vadd.f32 v6, v2;
	v6 =	vld [tilespmem:s29+$0x90]  }
0xe7: {  	v3 =	vadd.f32 v7, v3;
	v7 =	vld [tilespmem:s29+$0xA0]  }
0xe8: {  	v2 =	vadd.f32 v8, v2;
	v8 =	vld [tilespmem:s29+$0xB0]  }
0xe9: {  	v3 =	vadd.f32 v4, v3;
	v4 =	vld [tilespmem:s29+$0xC0]  }
0xea: {  	v2 =	vadd.f32 v5, v2;
	v5 =	vld [tilespmem:s29+$0xD0]  }
0xeb: {  	v3 =	vadd.f32 v6, v3;
	v6 =	vld [tilespmem:s29+$0xE0]  }
0xec: {  	v2 =	vadd.f32 v7, v2;
	v7 =	vld [tilespmem:s29+$0xF0]  }
0xed: {  	v3 =	vadd.f32 v8, v3;
	v8 =	vld [tilespmem:s29+$0x100]  }
0xee: {  	v2 =	vadd.f32 v4, v2;
	v4 =	vld [tilespmem:s29+$0x110]  }
0xef: {  	v3 =	vadd.f32 v5, v3;
	v5 =	vld [tilespmem:s29+$0x120]  }
0xf0: {  	v2 =	vadd.f32 v6, v2;
	v6 =	vld [tilespmem:s29+$0x130]  }
0xf1: {  	v3 =	vadd.f32 v7, v3;
	v7 =	vld [tilespmem:s29+$0x140]  }
0xf2: {  	v2 =	vadd.f32 v8, v2;
	v8 =	vld [tilespmem:s29+$0x150]  }
0xf3: {  	v3 =	vadd.f32 v4, v3;
	v4 =	vld [tilespmem:s29+$0x160]  }
0xf4: {  	v2 =	vadd.f32 v5, v2;
	v5 =	vld [tilespmem:s29+$0x170]  }
0xf5: {  	v3 =	vadd.f32 v6, v3;
	v6 =	vld [tilespmem:s29+$0x180]  }
0xf6: {  	v2 =	vadd.f32 v7, v2;
	v7 =	vld [tilespmem:s29+$0x190]  }
0xf7: {  	v3 =	vadd.f32 v8, v3;
	v8 =	vld [tilespmem:s29+$0x1A0]  }
0xf8: {  	v2 =	vadd.f32 v4, v2;
	v4 =	vld [tilespmem:s29+$0x1B0]  }
0xf9: {  	v3 =	vadd.f32 v5, v3;
	v5 =	vld [tilespmem:s29+$0x1C0]  }
0xfa: {  	v2 =	vadd.f32 v6, v2;
	v6 =	vld [tilespmem:s29+$0x1D0]  }
0xfb: {  	v3 =	vadd.f32 v7, v3;
	v7 =	vld [tilespmem:s29+$0x1E0]  }
0xfc: {  	v2 =	vadd.f32 v8, v2;
	v8 =	vld [tilespmem:s29+$0x1F0]  }
0xfd: {  	v3 =	vadd.f32 v4, v3;
	v4 =	vld [tilespmem:s29+$0x200]  }
0xfe: {  	v2 =	vadd.f32 v5, v2;
	v5 =	vld [tilespmem:s29+$0x210]  }
0xff: {  	v3 =	vadd.f32 v6, v3;
	v6 =	vld [tilespmem:s29+$0x220]  }
0x100: {  	v2 =	vadd.f32 v7, v2;
	v7 =	vld [tilespmem:s29+$0x230]  }
0x101: {  	v3 =	vadd.f32 v8, v3;
	v8 =	vld [tilespmem:s29+$0x240]  }
0x102: {  	v2 =	vadd.f32 v4, v2;
	v4 =	vld [tilespmem:s29+$0x250]  }
0x103: {  	v3 =	vadd.f32 v5, v3;
	v5 =	vld [tilespmem:s29+$0x260]  }
0x104: {  	v2 =	vadd.f32 v6, v2;
	v6 =	vld [tilespmem:s29+$0x270]  }
0x105: {  	v3 =	vadd.f32 v7, v3;
	v7 =	vld [tilespmem:s29+$0x280]  }
0x106: {  	v2 =	vadd.f32 v8, v2;
	v8 =	vld [tilespmem:s29+$0x290]  }
0x107: {  	v3 =	vadd.f32 v4, v3;
	v4 =	vld [tilespmem:s29+$0x2A0]  }
0x108: {  	v2 =	vadd.f32 v5, v2;
	v5 =	vld [tilespmem:s29+$0x2B0]  }
0x109: {  	v3 =	vadd.f32 v6, v3;
	v6 =	vld [tilespmem:s29+$0x2C0]  }
0x10a: {  	v2 =	vadd.f32 v7, v2;
	v7 =	vld [tilespmem:s29+$0x2D0]  }
0x10b: {  	v3 =	vadd.f32 v8, v3;
	v8 =	vld [tilespmem:s29+$0x2E0]  }
0x10c: {  	v2 =	vadd.f32 v4, v2;
	v4 =	vld [tilespmem:s29+$0x2F0]  }
0x10d: {  	v3 =	vadd.f32 v5, v3;
	v5 =	vld [tilespmem:s29+$0x300]  }
0x10e: {  	v2 =	vadd.f32 v6, v2;
	v6 =	vld [tilespmem:s29+$0x310]  }
0x10f: {  	v3 =	vadd.f32 v7, v3  }
.Ltmp1:
0x110: {  	v2 =	vadd.f32 v8, v2;
	(pc) =	sbr.rel @p0 .LBB2_5-.Ltmp1, $4  }
0x111: {  	v3 =	vadd.f32 v4, v3  }
0x112: {  	v4 =	vadd.f32 v5, v2  }
0x113: {  	s31 =	sshra.s32 s31, $0x2;
	v2 =	vadd.f32 v6, v3  }
0x114: {  	[tilespmem:s31+$0xEEC0] =	vst v4  }
0x115: {  	v3 =	vmov s28  }
0x116: {  	v4 =	vor.u32 s28, v0;
	v3 =	vshrl.u32 v3, $0x7  }
0x117: {  	v4 =	vand.u32 $0x7F, v4;
	v3 =	vmul.u32 $0x68, v3  }
0x118: {  	v4 =	vmin.u32 v4, $0x67  }
0x119: {  	v3 =	vadd.s32 v3, v4  }
0x11a: {  	s30 =	simm.s32 $0x10  }
0x11b: {  	v4 =	vmov s30  }
0x11c: {  	v5 =	vor.u32 s30, v0;
	v4 =	vshrl.u32 v4, $0x7  }
0x11d: {  	[tilespmem:s31+$0xEED0] =	vst v2;
	v5 =	vand.u32 $0x7F, v5;
	v4 =	vmul.u32 $0x68, v4  }
0x11e: {  	v2 =	vmin.u32 v5, $0x67;
	v3 =	vld.idx.msk [tilespmem:v3+s18+$0x0], $0xffff  }
0x11f: {  	v2 =	vadd.s32 v4, v2;
	_ =	sdelay $0x1  }
0x120: {  	s29 =	simm.s32 $0x20  }
0x121: {  	s31 =	simm.s32 $0x30;
	s28 =	sand.u32 $0xFF0, s28;
	v4 =	vmov s29  }
.LBB2_7:
0x122: {  	p0 =	sne.s32 s31, $0xFF0;
	v5 =	vor.u32 s29, v0;
	v4 =	vshrl.u32 v4, $0x7;
	[tilespmem:s28+$0xF2C0] =	vst v3;
	s0 =	smov.u32 s29;
	s29 =	smov.u32 s31  }
0x123: {  	v5 =	vand.u32 $0x7F, v5;
	v4 =	vmul.u32 $0x68, v4;
	v3 =	vld.idx.msk [tilespmem:v2+s18+$0x0], $0xffff  }
.Ltmp2:
0x124: {  	v2 =	vmin.u32 v5, $0x67;
	(pc) =	sbr.rel @p0 .LBB2_7-.Ltmp2, $2  }
0x125: {  	v2 =	vadd.s32 v4, v2;
	_ =	sdelay $0x2  }
0x126: {  	s31 =	sadd.s32 $0x10, s31;
	s28 =	sand.u32 $0xFF0, s30;
	s30 =	smov.u32 s0;
	v4 =	vmov s29  }
0x127: {  	_ =	sdelay $0x1  }
0x128: {  	v5 =	vor.u32 s29, v0;
	v4 =	vshrl.u32 v4, $0x7  }
0x129: {  	[tilespmem:s28+$0xF2C0] =	vst v3;
	v3 =	vand.u32 $0x7F, v5;
	v4 =	vmul.u32 $0x68, v4  }
0x12a: {  	v2 =	vld.idx.msk [tilespmem:v2+s18+$0x0], $0xffff;
	v3 =	vmin.u32 v3, $0x67  }
0x12b: {  	v3 =	vadd.s32 v4, v3  }
0x12c: {  	s0 =	simm.s32 $0x0  }
0x12d: {  	v4 =	vmov s0  }
0x12e: {  	s28 =	sand.u32 $0xFF0, s30;
	v5 =	vor.u32 s0, v0;
	v4 =	vshrl.u32 v4, $0x5  }
0x12f: {  	[tilespmem:s28+$0xF2C0] =	vst v2;
	v2 =	vmul.u32 $0x1A, v4;
	v4 =	vand.u32 $0x1F, v5  }
0x130: {  	v4 =	vmin.u32 v4, $0x19;
	v3 =	vld.idx.msk [tilespmem:v3+s18+$0x0], $0xffff  }
0x131: {  	v2 =	vadd.s32 v2, v4  }
0x132: {  	s28 =	simm.s32 $0x10  }
0x133: {  	v4 =	vmov s28  }
0x134: {  	s29 =	sand.u32 $0xFF0, s29;
	v5 =	vor.u32 s28, v0;
	v4 =	vshrl.u32 v4, $0x5  }
0x135: {  	v5 =	vand.u32 $0x1F, v5;
	v4 =	vmul.u32 $0x1A, v4;
	[tilespmem:s29+$0xF2C0] =	vst v3  }
0x136: {  	v5 =	vmin.u32 v5, $0x19;
	v3 =	vld.idx.msk [tilespmem:v2+s20+$0x0], $0xffff  }
0x137: {  	v2 =	vadd.s32 v4, v5;
	_ =	sdelay $0x1  }
0x138: {  	s29 =	simm.s32 $0x20  }
0x139: {  	s30 =	simm.s32 $0x30;
	s31 =	sand.u32 $0x3F0, s0;
	v4 =	vmov s29  }
.LBB2_9:
0x13a: {  	p0 =	sne.s32 s30, $0x3F0;
	v5 =	vor.u32 s29, v0;
	v4 =	vshrl.u32 v4, $0x5;
	[tilespmem:s31+$0x102C0] =	vst v3;
	s0 =	smov.u32 s29;
	s29 =	smov.u32 s30  }
0x13b: {  	v4 =	vmul.u32 $0x1A, v4;
	v5 =	vand.u32 $0x1F, v5;
	v3 =	vld.idx.msk [tilespmem:v2+s20+$0x0], $0xffff  }
.Ltmp3:
0x13c: {  	v2 =	vmin.u32 v5, $0x19;
	(pc) =	sbr.rel @p0 .LBB2_9-.Ltmp3, $2  }
0x13d: {  	v2 =	vadd.s32 v4, v2;
	_ =	sdelay $0x2  }
0x13e: {  	s30 =	sadd.s32 $0x10, s30;
	s31 =	sand.u32 $0x3F0, s28;
	s28 =	smov.u32 s0;
	v4 =	vmov s29  }
0x13f: {  	_ =	sdelay $0x1  }
0x140: {  	v5 =	vor.u32 s29, v0;
	v4 =	vshrl.u32 v4, $0x5  }
0x141: {  	[tilespmem:s31+$0x102C0] =	vst v3;
	v3 =	vmul.u32 $0x1A, v4;
	v63 =	vand.u32 $0x1F, v5  }
0x142: {  	v2 =	vld.idx.msk [tilespmem:v2+s20+$0x0], $0xffff;
	v4 =	vmin.u32 v63, $0x19  }
0x143: {  	v3 =	vadd.s32 v3, v4;
	_ =	sdelay $0x2  }
0x144: {  	s0 =	sand.u32 $0x3F0, s28  }
0x145: {  	[tilespmem:s0+$0x102C0] =	vst v2  }
0x146: {  	v2 =	vld.idx.msk [tilespmem:v3+s20+$0x0], $0xffff;
	_ =	sdelay $0x3  }
0x147: {  	s30 =	sand.u32 $0x3F0, s29;
	s31 =	sshll.u32 s26, $0x2  }
0x148: {  	s29 =	sadd.s32 s8, s31;
	[tilespmem:s30+$0x102C0] =	vst v2  }
0x149: {  	[hbm4b:s29+s1] =	stream.linear.scatter [tilespmem:s21], [sflag:$0x1], $0x400, $0x38;
	[tilespmem:$0x106C0] =	vst v63  }
0x14a: {  	_ =	swait.ge [sflag:s13], $0x400  }
0x14b: {  	s30 =	sshll.u32 s26, $0x4;
	[sflag:s13] =	ssyncset.done $0x0  }
0x14c: {  	s0 =	sadd.s32 s9, s30;
	[sflag:s13] =	ssyncadd.s32 $0xFFFFFC00  }
0x14d: {  	[hbm4b:s0+s1] =	stream.linear.scatter [tilespmem:s22], [sflag:$0x1], $0x1000, $0x38;
	[tilespmem:$0x106C0] =	vst v63  }
0x14e: {  	s25 =	sadd.s32 $0x1, s25;
	_ =	swait.ge [sflag:s13], $0x1000  }
0x14f: {  	p0 =	sne.s32 s25, $0x10;
	[sflag:s13] =	ssyncset.done $0x0  }
.Ltmp4:
0x150: {  	s31 =	sadd.s32 s10, s31;
	[sflag:s13] =	ssyncadd.s32 $0xFFFFF000;
	(pc) =	sbr.rel @p0 .LBB2_2-.Ltmp4, $4  }
0x151: {  	[hbm4b:s31+s1] =	stream.linear.scatter [tilespmem:s23], [sflag:$0x1], $0x400, $0x38;
	[tilespmem:$0x106C0] =	vst v63  }
0x152: {  	_ =	swait.ge [sflag:s13], $0x400  }
0x153: {  	[sflag:s13] =	ssyncset.done $0x0  }
0x154: {  	[sflag:s13] =	ssyncadd.s32 $0xFFFFFC00  }
0x155: {  	s24 =	sadd.s32 $0x1, s24  }
0x156: {  	p0 =	sne.s32 s24, s12  }
.Ltmp5:
0x157: {  	_ = 	snop;
	(pc) =	sbr.rel @p0 .LBB2_1-.Ltmp5, $1  }
0x158: {  	_ =	sdelay $0x3  }
0x159: {  	_ =	sfence.sel $0x180000  }
0x15a: {  	[bflag:$0x0] =	sbarrier.arrive $0xFFFF  }
0x15b: {  	_ =	strace $0x90000047  }
0x15c: {  	[bflag:$0x2] =	sbarrier.arrive $0xFFFF  }
0x15d: {  	p0 =	sne.s32 s6, $0x0;
	s0 =	rddreg [dreg:$0x1]  }
0x15e: {  	s0 =	sadd.s32 @!p0 $0x100000, s0  }
0x15f: {  	[sflag:s0] =	ssyncadd.tile.s32 @!p0 $0x1;
	_ =	shalt  }
.Lfunc_end2:
_tile_overlayer_lowered:
.L_overlay_start_2:
0x160: {  	(tag) =	ssettag $0x2  }
0x161: {  	s0 =	rddreg [dreg:$0x0];
	s2 =	stileid.u32  }
0x162: {  	s1 =	rddreg [dreg:$0x1];
	p0 =	sne.s32 s2, $0x0  }
0x163: {  	s3 =	rddreg [dreg:$0x2];
	[bflag:$0x3] =	sbarrier.arrive $0xFFFF;
	s2 =	simm.s32 @!p0 $0x1C01  }
0x164: {  	[timem:s3], [sflag:s2] =	dma.local @!p0 [hbm:s0], s1  }
0x165: {  	s0 =	simm.s32 @!p0 $0x1  }
0x166: {  	_ =	swait.ge @!p0 [sflag:s0], s1  }
0x167: {  	s1 =	ssub.s32 @!p0 $0x0, s1;
	[sflag:s0] =	ssyncset.done @!p0 $0x0  }
0x168: {  	[sflag:s0] =	ssyncadd.s32 @!p0 s1  }
0x169: {  	[bflag:$0x3] =	sbarrier.arrive $0xFFFF  }
0x16a: {  	_ =	shalt  }

</sc_bundles>
